<compile_context>
chip_gen: v7x
topology: tpu7x:2x2x1
jax: 0.10.2.dev20260603
libtpu: 0.0.44.dev20260713+nightly
codegen_flags: <defaults>
</compile_context>

<pallas_src>
import functools
import jax
import jax.numpy as jnp
from jax import lax
from jax.experimental import pallas as pl
from jax.experimental.pallas import tpu as pltpu
from jax.experimental.pallas import tpu_sc as plsc

N = 8192
M = 8192
KSC = 512
MTC = M - KSC
BJ = 1280
NJ = MTC // BJ

NC = 2
NS = 16
NW = NC * NS
RP = N // NW
L = 16
NCHUNK = KSC // L



def _tc_kernel(x_ref, yt_ref, rowmin_ref, colsum_ref, xm_ref, xn_ref,
               colacc_ref):
    j = pl.program_id(0)
    nj = pl.num_programs(0)

    @pl.when(j == 0)
    def _init():
        x = x_ref[...]
        xm_ref[...] = x * -2.0
        xn_ref[...] = jnp.sum(x * x, axis=1, keepdims=True)
        rowmin_ref[...] = jnp.full_like(rowmin_ref, jnp.inf)
        colacc_ref[0, 0] = 0.0

    yt = yt_ref[...]
    yn = jnp.sum(yt * yt, axis=0, keepdims=True)
    d = (xn_ref[...] + yn) + jnp.dot(xm_ref[...], yt)

    rowmin_ref[...] = jnp.minimum(rowmin_ref[...], jnp.min(d, axis=1, keepdims=True))
    colacc_ref[0, 0] += jnp.sum(jnp.min(d, axis=0))

    @pl.when(j == nj - 1)
    def _finish():
        colsum_ref[...] = jnp.full((1, 1), colacc_ref[0, 0], jnp.float32)


def _tc_call(x, yt_tc):
    return pl.pallas_call(
        _tc_kernel,
        grid=(NJ,),
        in_specs=[
            pl.BlockSpec((N, 3), lambda j: (0, 0)),
            pl.BlockSpec((3, BJ), lambda j: (0, j)),
        ],
        out_specs=[
            pl.BlockSpec((N, 1), lambda j: (0, 0)),
            pl.BlockSpec((1, 1), lambda j: (0, 0)),
        ],
        out_shape=[
            jax.ShapeDtypeStruct((N, 1), jnp.float32),
            jax.ShapeDtypeStruct((1, 1), jnp.float32),
        ],
        scratch_shapes=[
            pltpu.VMEM((N, 3), jnp.float32),
            pltpu.VMEM((N, 1), jnp.float32),
            pltpu.SMEM((1, 1), jnp.float32),
        ],
    )(x, yt_tc)



def _sc_body(xg_hbm, xq_hbm, yt_hbm, yq_hbm, rowpart_hbm, colpart_hbm,
             x0_v, x1_v, x2_v, xn_v, y0_v, y1_v, y2_v, yn_v, cmin_v,
             rpart_v):
    wid = lax.axis_index("s") * NC + lax.axis_index("c")

    xb = wid * 3 * RP
    pltpu.sync_copy(xg_hbm.at[pl.ds(xb, RP)], x0_v)
    pltpu.sync_copy(xg_hbm.at[pl.ds(xb + RP, RP)], x1_v)
    pltpu.sync_copy(xg_hbm.at[pl.ds(xb + 2 * RP, RP)], x2_v)
    pltpu.sync_copy(yt_hbm.at[pl.ds(0, KSC)], y0_v)
    pltpu.sync_copy(yt_hbm.at[pl.ds(KSC, KSC)], y1_v)
    pltpu.sync_copy(yt_hbm.at[pl.ds(2 * KSC, KSC)], y2_v)

    def prep_chunk(c, _):
        sl = pl.ds(c * L, L)
        y0 = y0_v[sl]
        y1 = y1_v[sl]
        y2 = y2_v[sl]
        yn_v[sl] = (y0 * y0 + y1 * y1) + y2 * y2
        cmin_v[sl] = jnp.full((L,), jnp.inf, jnp.float32)
        return _
    lax.fori_loop(0, NCHUNK, prep_chunk, 0)

    def prep_x(c, _):
        sl = pl.ds(c * L, L)
        x0 = x0_v[sl]
        x1 = x1_v[sl]
        x2 = x2_v[sl]
        xn_v[sl] = (x0 * x0 + x1 * x1) + x2 * x2
        return _
    lax.fori_loop(0, RP // L, prep_x, 0)

    pltpu.sync_copy(xq_hbm.at[pl.ds(xb, RP)], x0_v)
    pltpu.sync_copy(xq_hbm.at[pl.ds(xb + RP, RP)], x1_v)
    pltpu.sync_copy(xq_hbm.at[pl.ds(xb + 2 * RP, RP)], x2_v)
    pltpu.sync_copy(yq_hbm.at[pl.ds(0, KSC)], y0_v)
    pltpu.sync_copy(yq_hbm.at[pl.ds(KSC, KSC)], y1_v)
    pltpu.sync_copy(yq_hbm.at[pl.ds(2 * KSC, KSC)], y2_v)

    def init_rpart(i, _):
        rpart_v[pl.ds(i * L, L)] = jnp.full((L,), jnp.inf, jnp.float32)
        return _
    lax.fori_loop(0, RP, init_rpart, 0)

    def chunk_body(c, _):
        sl = pl.ds(c * L, L)
        y0 = y0_v[sl]
        y1 = y1_v[sl]
        y2 = y2_v[sl]
        yn = yn_v[sl]
        cmin0 = cmin_v[sl]

        def pred_body(p, cmin):
            base = p * L
            xnc = xn_v[pl.ds(base, L)]
            x0c = x0_v[pl.ds(base, L)]
            x1c = x1_v[pl.ds(base, L)]
            x2c = x2_v[pl.ds(base, L)]
            for u in range(L):
                s = yn + xnc[u]
                t = (x0c[u] * y0 + x1c[u] * y1) + x2c[u] * y2
                d = s + t
                cmin = jnp.minimum(cmin, d)
                rsl = pl.ds((base + u) * L, L)
                rpart_v[rsl] = jnp.minimum(rpart_v[rsl], d)
            return cmin

        cmin = lax.fori_loop(0, RP // L, pred_body, cmin0)
        cmin_v[sl] = cmin
        return _
    lax.fori_loop(0, NCHUNK, chunk_body, 0)

    pltpu.sync_copy(rpart_v, rowpart_hbm.at[pl.ds(wid * RP * L, RP * L)])
    pltpu.sync_copy(cmin_v, colpart_hbm.at[pl.ds(wid * KSC, KSC)])


def _sc_call(xg, xq, yt, yq):
    mesh = plsc.VectorSubcoreMesh(core_axis_name="c", subcore_axis_name="s")
    f = functools.partial(
        pl.kernel,
        mesh=mesh,
        out_type=[
            jax.ShapeDtypeStruct((NW * RP * L,), jnp.float32),
            jax.ShapeDtypeStruct((NW * KSC,), jnp.float32),
        ],
        scratch_types=[
            pltpu.VMEM((RP,), jnp.float32),
            pltpu.VMEM((RP,), jnp.float32),
            pltpu.VMEM((RP,), jnp.float32),
            pltpu.VMEM((RP,), jnp.float32),
            pltpu.VMEM((KSC,), jnp.float32),
            pltpu.VMEM((KSC,), jnp.float32),
            pltpu.VMEM((KSC,), jnp.float32),
            pltpu.VMEM((KSC,), jnp.float32),
            pltpu.VMEM((KSC,), jnp.float32),
            pltpu.VMEM((RP * L,), jnp.float32),
        ],
    )(_sc_body)
    return f(xg, xq, yt, yq)



def _combine_kernel(rowmin_tc_ref, colsum_tc_ref, rowpart_ref, colpart_ref,
                    out_ref):
    rowmin_sc = jnp.min(rowpart_ref[...], axis=1, keepdims=True)
    rowmin = jnp.minimum(rowmin_tc_ref[...], rowmin_sc)
    colmin_sc = jnp.min(colpart_ref[...], axis=0)
    mr = jnp.sum(rowmin) / N
    mc = (colsum_tc_ref[0, 0] + jnp.sum(colmin_sc)) / M
    out_ref[...] = jnp.full((1, 1), (mr + mc) * 0.5, jnp.float32)


def kernel(pred_positions, target_positions):
    y_sc = target_positions[MTC:]

    def arrange_x(a):
        return a.T.reshape(3, NW, RP).transpose(1, 0, 2).reshape(NW * 3 * RP)
    xg = arrange_x(pred_positions)
    xq = arrange_x(lax.reduce_precision(pred_positions, 8, 7) * -2.0)
    yt_sc = y_sc.T.reshape(3 * KSC)
    yq_sc = lax.reduce_precision(y_sc, 8, 7).T.reshape(3 * KSC)

    rowpart, colpart = _sc_call(xg, xq, yt_sc, yq_sc)

    yt_tc = target_positions.T[:, :MTC]
    rowmin_tc, colsum_tc = _tc_call(pred_positions, yt_tc)

    out = pl.pallas_call(
        _combine_kernel,
        out_shape=jax.ShapeDtypeStruct((1, 1), jnp.float32),
    )(rowmin_tc, colsum_tc, rowpart.reshape(N, L), colpart.reshape(NW, KSC))
    return out[0, 0]

# --- scband reference (transcript-rebuilt; emitter-appended) ---
"""Pipeline reference for scband-icpchamfer-loss-31696858644903 (READ-ONLY COPY).

The authoritative reference and input builder live on the scoring server;
editing this copy changes nothing except your own understanding.
"""

import jax, jax.numpy as jnp
import numpy as np


def setup_inputs(seed: int = 0) -> dict:
    key = jax.random.key(seed)
    k1, k2 = jax.random.split(key)
    pred_positions = jax.random.normal(k1, (8192, 3), dtype=jnp.float32)
    target_positions = jax.random.normal(k2, (8192, 3), dtype=jnp.float32)
    return {"pred_positions": pred_positions, "target_positions": target_positions}


def _nearest_neighbor_distance(source, target):
    source_norm = jnp.sum(source ** 2, axis=1, keepdims=True)  # [N, 1]
    target_norm = jnp.sum(target ** 2, axis=1, keepdims=True)  # [M, 1]
    dist_matrix = source_norm + target_norm.T - 2.0 * jnp.matmul(source, target.T)  # [N, M]
    min_distances = jnp.min(dist_matrix, axis=1)
    return jnp.mean(min_distances)


def reference(pred_positions, target_positions):
    dist_pred_to_target = _nearest_neighbor_distance(pred_positions, target_positions)
    dist_target_to_pred = _nearest_neighbor_distance(target_positions, pred_positions)
    chamfer_loss = (dist_pred_to_target + dist_target_to_pred) / 2.0
    return chamfer_loss

if __name__ == "__main__":
    import jax
    _d = setup_inputs()
    print(jax.jit(kernel)(*tuple(_d.values())))

</pallas_src>

<mosaic_0001>
#map = affine_map<(d0, d1) -> (0)>
module attributes {stable_mosaic.version = 14 : i64} {
  func.func @_sc_body(%arg0: i32, %arg1: i32, %arg2: memref<24576xf32, #tpu.memory_space<hbm>>, %arg3: memref<24576xf32, #tpu.memory_space<hbm>>, %arg4: memref<1536xf32, #tpu.memory_space<hbm>>, %arg5: memref<1536xf32, #tpu.memory_space<hbm>>, %arg6: memref<131072xf32, #tpu.memory_space<hbm>>, %arg7: memref<16384xf32, #tpu.memory_space<hbm>>, %arg8: memref<256xf32, #tpu.memory_space<vmem>>, %arg9: memref<256xf32, #tpu.memory_space<vmem>>, %arg10: memref<256xf32, #tpu.memory_space<vmem>>, %arg11: memref<256xf32, #tpu.memory_space<vmem>>, %arg12: memref<512xf32, #tpu.memory_space<vmem>>, %arg13: memref<512xf32, #tpu.memory_space<vmem>>, %arg14: memref<512xf32, #tpu.memory_space<vmem>>, %arg15: memref<512xf32, #tpu.memory_space<vmem>>, %arg16: memref<512xf32, #tpu.memory_space<vmem>>, %arg17: memref<4096xf32, #tpu.memory_space<vmem>>) attributes {dimension_semantics = [#tpu.dimension_semantics<core_parallel>, #tpu.dimension_semantics<subcore_parallel>], iteration_bounds = array<i64: 2, 16>, scalar_prefetch = 0 : i64, scratch_operands = 10 : i64, tpu.core_type = #tpu.core_type<sc_vector_subcore>, window_params = [{transform_indices = #map}, {transform_indices = #map}, {transform_indices = #map}, {transform_indices = #map}, {transform_indices = #map}, {transform_indices = #map}]} {
    %mul3A = arith.constant 2 : i32
    %mul3A_0 = arith.muli %arg1, %mul3A : i32
    %add3A = arith.addi %mul3A_0, %arg0 : i32
    %mul3A_1 = arith.constant 3 : i32
    %mul3A_2 = arith.muli %add3A, %mul3A_1 : i32
    %mul3A_3 = arith.constant 256 : i32
    %mul3A_4 = arith.muli %mul3A_2, %mul3A_3 : i32
    "tpu.region"() ({
      %run_scoped3A = tpu.sem_alloc : memref<!tpu.dma_semaphore, #tpu.memory_space<semaphore_mem>>
      %dma_start3A = tpu.memref_slice %arg2[%mul3A_4] : memref<24576xf32, #tpu.memory_space<hbm>> -> memref<256xf32, #tpu.memory_space<hbm>>
      %dma_start3A_42 = tpu.memref_slice %arg2[%mul3A_4] : memref<24576xf32, #tpu.memory_space<hbm>> -> memref<256xf32, #tpu.memory_space<hbm>>
      tpu.enqueue_dma source(%dma_start3A_42 : memref<256xf32, #tpu.memory_space<hbm>>) target(%arg8 : memref<256xf32, #tpu.memory_space<vmem>>) target_semaphore(%run_scoped3A : memref<!tpu.dma_semaphore, #tpu.memory_space<semaphore_mem>>)
      %dma_wait3A = tpu.memref_slice %arg2[%mul3A_4] : memref<24576xf32, #tpu.memory_space<hbm>> -> memref<256xf32, #tpu.memory_space<hbm>>
      %dma_wait3A_43 = tpu.memref_slice %arg2[%mul3A_4] : memref<24576xf32, #tpu.memory_space<hbm>> -> memref<256xf32, #tpu.memory_space<hbm>>
      tpu.wait_dma2 semaphore(%run_scoped3A : memref<!tpu.dma_semaphore, #tpu.memory_space<semaphore_mem>>) src(%dma_wait3A_43 : memref<256xf32, #tpu.memory_space<hbm>>) dst(%arg8 : memref<256xf32, #tpu.memory_space<vmem>>)
      tpu.yield
    }) : () -> ()
    %add3A_5 = arith.constant 256 : i32
    %add3A_6 = arith.addi %mul3A_4, %add3A_5 : i32
    "tpu.region"() ({
      %run_scoped3A = tpu.sem_alloc : memref<!tpu.dma_semaphore, #tpu.memory_space<semaphore_mem>>
      %dma_start3A = tpu.memref_slice %arg2[%add3A_6] : memref<24576xf32, #tpu.memory_space<hbm>> -> memref<256xf32, #tpu.memory_space<hbm>>
      %dma_start3A_42 = tpu.memref_slice %arg2[%add3A_6] : memref<24576xf32, #tpu.memory_space<hbm>> -> memref<256xf32, #tpu.memory_space<hbm>>
      tpu.enqueue_dma source(%dma_start3A_42 : memref<256xf32, #tpu.memory_space<hbm>>) target(%arg9 : memref<256xf32, #tpu.memory_space<vmem>>) target_semaphore(%run_scoped3A : memref<!tpu.dma_semaphore, #tpu.memory_space<semaphore_mem>>)
      %dma_wait3A = tpu.memref_slice %arg2[%add3A_6] : memref<24576xf32, #tpu.memory_space<hbm>> -> memref<256xf32, #tpu.memory_space<hbm>>
      %dma_wait3A_43 = tpu.memref_slice %arg2[%add3A_6] : memref<24576xf32, #tpu.memory_space<hbm>> -> memref<256xf32, #tpu.memory_space<hbm>>
      tpu.wait_dma2 semaphore(%run_scoped3A : memref<!tpu.dma_semaphore, #tpu.memory_space<semaphore_mem>>) src(%dma_wait3A_43 : memref<256xf32, #tpu.memory_space<hbm>>) dst(%arg9 : memref<256xf32, #tpu.memory_space<vmem>>)
      tpu.yield
    }) : () -> ()
    %add3A_7 = arith.constant 512 : i32
    %add3A_8 = arith.addi %mul3A_4, %add3A_7 : i32
    "tpu.region"() ({
      %run_scoped3A = tpu.sem_alloc : memref<!tpu.dma_semaphore, #tpu.memory_space<semaphore_mem>>
      %dma_start3A = tpu.memref_slice %arg2[%add3A_8] : memref<24576xf32, #tpu.memory_space<hbm>> -> memref<256xf32, #tpu.memory_space<hbm>>
      %dma_start3A_42 = tpu.memref_slice %arg2[%add3A_8] : memref<24576xf32, #tpu.memory_space<hbm>> -> memref<256xf32, #tpu.memory_space<hbm>>
      tpu.enqueue_dma source(%dma_start3A_42 : memref<256xf32, #tpu.memory_space<hbm>>) target(%arg10 : memref<256xf32, #tpu.memory_space<vmem>>) target_semaphore(%run_scoped3A : memref<!tpu.dma_semaphore, #tpu.memory_space<semaphore_mem>>)
      %dma_wait3A = tpu.memref_slice %arg2[%add3A_8] : memref<24576xf32, #tpu.memory_space<hbm>> -> memref<256xf32, #tpu.memory_space<hbm>>
      %dma_wait3A_43 = tpu.memref_slice %arg2[%add3A_8] : memref<24576xf32, #tpu.memory_space<hbm>> -> memref<256xf32, #tpu.memory_space<hbm>>
      tpu.wait_dma2 semaphore(%run_scoped3A : memref<!tpu.dma_semaphore, #tpu.memory_space<semaphore_mem>>) src(%dma_wait3A_43 : memref<256xf32, #tpu.memory_space<hbm>>) dst(%arg10 : memref<256xf32, #tpu.memory_space<vmem>>)
      tpu.yield
    }) : () -> ()
    "tpu.region"() ({
      %run_scoped3A = tpu.sem_alloc : memref<!tpu.dma_semaphore, #tpu.memory_space<semaphore_mem>>
      %dma_start3A = arith.constant 0 : i32
      %dma_start3A_42 = tpu.memref_slice %arg4[%dma_start3A] : memref<1536xf32, #tpu.memory_space<hbm>> -> memref<512xf32, #tpu.memory_space<hbm>>
      %dma_start3A_43 = arith.constant 0 : i32
      %dma_start3A_44 = tpu.memref_slice %arg4[%dma_start3A_43] : memref<1536xf32, #tpu.memory_space<hbm>> -> memref<512xf32, #tpu.memory_space<hbm>>
      tpu.enqueue_dma source(%dma_start3A_44 : memref<512xf32, #tpu.memory_space<hbm>>) target(%arg12 : memref<512xf32, #tpu.memory_space<vmem>>) target_semaphore(%run_scoped3A : memref<!tpu.dma_semaphore, #tpu.memory_space<semaphore_mem>>)
      %dma_wait3A = arith.constant 0 : i32
      %dma_wait3A_45 = tpu.memref_slice %arg4[%dma_wait3A] : memref<1536xf32, #tpu.memory_space<hbm>> -> memref<512xf32, #tpu.memory_space<hbm>>
      %dma_wait3A_46 = arith.constant 0 : i32
      %dma_wait3A_47 = tpu.memref_slice %arg4[%dma_wait3A_46] : memref<1536xf32, #tpu.memory_space<hbm>> -> memref<512xf32, #tpu.memory_space<hbm>>
      tpu.wait_dma2 semaphore(%run_scoped3A : memref<!tpu.dma_semaphore, #tpu.memory_space<semaphore_mem>>) src(%dma_wait3A_47 : memref<512xf32, #tpu.memory_space<hbm>>) dst(%arg12 : memref<512xf32, #tpu.memory_space<vmem>>)
      tpu.yield
    }) : () -> ()
    "tpu.region"() ({
      %run_scoped3A = tpu.sem_alloc : memref<!tpu.dma_semaphore, #tpu.memory_space<semaphore_mem>>
      %dma_start3A = arith.constant 512 : i32
      %dma_start3A_42 = tpu.memref_slice %arg4[%dma_start3A] : memref<1536xf32, #tpu.memory_space<hbm>> -> memref<512xf32, #tpu.memory_space<hbm>>
      %dma_start3A_43 = arith.constant 512 : i32
      %dma_start3A_44 = tpu.memref_slice %arg4[%dma_start3A_43] : memref<1536xf32, #tpu.memory_space<hbm>> -> memref<512xf32, #tpu.memory_space<hbm>>
      tpu.enqueue_dma source(%dma_start3A_44 : memref<512xf32, #tpu.memory_space<hbm>>) target(%arg13 : memref<512xf32, #tpu.memory_space<vmem>>) target_semaphore(%run_scoped3A : memref<!tpu.dma_semaphore, #tpu.memory_space<semaphore_mem>>)
      %dma_wait3A = arith.constant 512 : i32
      %dma_wait3A_45 = tpu.memref_slice %arg4[%dma_wait3A] : memref<1536xf32, #tpu.memory_space<hbm>> -> memref<512xf32, #tpu.memory_space<hbm>>
      %dma_wait3A_46 = arith.constant 512 : i32
      %dma_wait3A_47 = tpu.memref_slice %arg4[%dma_wait3A_46] : memref<1536xf32, #tpu.memory_space<hbm>> -> memref<512xf32, #tpu.memory_space<hbm>>
      tpu.wait_dma2 semaphore(%run_scoped3A : memref<!tpu.dma_semaphore, #tpu.memory_space<semaphore_mem>>) src(%dma_wait3A_47 : memref<512xf32, #tpu.memory_space<hbm>>) dst(%arg13 : memref<512xf32, #tpu.memory_space<vmem>>)
      tpu.yield
    }) : () -> ()
    "tpu.region"() ({
      %run_scoped3A = tpu.sem_alloc : memref<!tpu.dma_semaphore, #tpu.memory_space<semaphore_mem>>
      %dma_start3A = arith.constant 1024 : i32
      %dma_start3A_42 = tpu.memref_slice %arg4[%dma_start3A] : memref<1536xf32, #tpu.memory_space<hbm>> -> memref<512xf32, #tpu.memory_space<hbm>>
      %dma_start3A_43 = arith.constant 1024 : i32
      %dma_start3A_44 = tpu.memref_slice %arg4[%dma_start3A_43] : memref<1536xf32, #tpu.memory_space<hbm>> -> memref<512xf32, #tpu.memory_space<hbm>>
      tpu.enqueue_dma source(%dma_start3A_44 : memref<512xf32, #tpu.memory_space<hbm>>) target(%arg14 : memref<512xf32, #tpu.memory_space<vmem>>) target_semaphore(%run_scoped3A : memref<!tpu.dma_semaphore, #tpu.memory_space<semaphore_mem>>)
      %dma_wait3A = arith.constant 1024 : i32
      %dma_wait3A_45 = tpu.memref_slice %arg4[%dma_wait3A] : memref<1536xf32, #tpu.memory_space<hbm>> -> memref<512xf32, #tpu.memory_space<hbm>>
      %dma_wait3A_46 = arith.constant 1024 : i32
      %dma_wait3A_47 = tpu.memref_slice %arg4[%dma_wait3A_46] : memref<1536xf32, #tpu.memory_space<hbm>> -> memref<512xf32, #tpu.memory_space<hbm>>
      tpu.wait_dma2 semaphore(%run_scoped3A : memref<!tpu.dma_semaphore, #tpu.memory_space<semaphore_mem>>) src(%dma_wait3A_47 : memref<512xf32, #tpu.memory_space<hbm>>) dst(%arg14 : memref<512xf32, #tpu.memory_space<vmem>>)
      tpu.yield
    }) : () -> ()
    %scan3A = arith.constant 0 : i32
    %scan3A_9 = arith.constant 0 : i32
    %scan3A_10 = arith.constant 32 : i32
    %scan3A_11 = arith.addi %scan3A_9, %scan3A_10 : i32
    %scan3A_12 = arith.constant 1 : i32
    scf.for %scan3A_42 = %scan3A_9 to %scan3A_11 step %scan3A_12  : i32 {
      %mul3A_43 = arith.constant 16 : i32
      %mul3A_44 = arith.muli %scan3A_42, %mul3A_43 : i32
      %get3A = arith.index_cast %mul3A_44 : i32 to index
      %get3A_45 = tpu.vector_load %arg12[%get3A] {strides = array<i32>} : memref<512xf32, #tpu.memory_space<vmem>>, vector<16xf32>,
      %get3A_46 = vector.shape_cast %get3A_45 : vector<16xf32> to vector<16xf32>
      %get3A_47 = arith.index_cast %mul3A_44 : i32 to index
      %get3A_48 = tpu.vector_load %arg13[%get3A_47] {strides = array<i32>} : memref<512xf32, #tpu.memory_space<vmem>>, vector<16xf32>,
      %get3A_49 = vector.shape_cast %get3A_48 : vector<16xf32> to vector<16xf32>
      %get3A_50 = arith.index_cast %mul3A_44 : i32 to index
      %get3A_51 = tpu.vector_load %arg14[%get3A_50] {strides = array<i32>} : memref<512xf32, #tpu.memory_space<vmem>>, vector<16xf32>,
      %get3A_52 = vector.shape_cast %get3A_51 : vector<16xf32> to vector<16xf32>
      %mul3A_53 = arith.mulf %get3A_46, %get3A_46 : vector<16xf32>
      %mul3A_54 = arith.mulf %get3A_49, %get3A_49 : vector<16xf32>
      %add3A_55 = arith.addf %mul3A_53, %mul3A_54 : vector<16xf32>
      %mul3A_56 = arith.mulf %get3A_52, %get3A_52 : vector<16xf32>
      %add3A_57 = arith.addf %add3A_55, %mul3A_56 : vector<16xf32>
      %swap3A = arith.index_cast %mul3A_44 : i32 to index
      %swap3A_58 = tpu.vector_load %arg15[%swap3A] {strides = array<i32>} : memref<512xf32, #tpu.memory_space<vmem>>, vector<16xf32>,
      %swap3A_59 = vector.shape_cast %swap3A_58 : vector<16xf32> to vector<16xf32>
      %swap3A_60 = vector.shape_cast %add3A_57 : vector<16xf32> to vector<16xf32>
      tpu.vector_store %arg15[%swap3A], %swap3A_60 {strides = array<i32>} : memref<512xf32, #tpu.memory_space<vmem>>, vector<16xf32>,
      %broadcast_in_dim3A = arith.constant 0x7F800000 : f32
      %broadcast_in_dim3A_61 = vector.broadcast %broadcast_in_dim3A : f32 to vector<16xf32>
      %swap3A_62 = arith.index_cast %mul3A_44 : i32 to index
      %swap3A_63 = tpu.vector_load %arg16[%swap3A_62] {strides = array<i32>} : memref<512xf32, #tpu.memory_space<vmem>>, vector<16xf32>,
      %swap3A_64 = vector.shape_cast %swap3A_63 : vector<16xf32> to vector<16xf32>
      %swap3A_65 = vector.shape_cast %broadcast_in_dim3A_61 : vector<16xf32> to vector<16xf32>
      tpu.vector_store %arg16[%swap3A_62], %swap3A_65 {strides = array<i32>} : memref<512xf32, #tpu.memory_space<vmem>>, vector<16xf32>,
    }
    %scan3A_13 = arith.constant 32 : i32
    %scan3A_14 = arith.constant 0 : i32
    %scan3A_15 = arith.constant 0 : i32
    %scan3A_16 = arith.constant 16 : i32
    %scan3A_17 = arith.addi %scan3A_15, %scan3A_16 : i32
    %scan3A_18 = arith.constant 1 : i32
    scf.for %scan3A_42 = %scan3A_15 to %scan3A_17 step %scan3A_18  : i32 {
      %mul3A_43 = arith.constant 16 : i32
      %mul3A_44 = arith.muli %scan3A_42, %mul3A_43 : i32
      %get3A = arith.index_cast %mul3A_44 : i32 to index
      %get3A_45 = tpu.vector_load %arg8[%get3A] {strides = array<i32>} : memref<256xf32, #tpu.memory_space<vmem>>, vector<16xf32>,
      %get3A_46 = vector.shape_cast %get3A_45 : vector<16xf32> to vector<16xf32>
      %get3A_47 = arith.index_cast %mul3A_44 : i32 to index
      %get3A_48 = tpu.vector_load %arg9[%get3A_47] {strides = array<i32>} : memref<256xf32, #tpu.memory_space<vmem>>, vector<16xf32>,
      %get3A_49 = vector.shape_cast %get3A_48 : vector<16xf32> to vector<16xf32>
      %get3A_50 = arith.index_cast %mul3A_44 : i32 to index
      %get3A_51 = tpu.vector_load %arg10[%get3A_50] {strides = array<i32>} : memref<256xf32, #tpu.memory_space<vmem>>, vector<16xf32>,
      %get3A_52 = vector.shape_cast %get3A_51 : vector<16xf32> to vector<16xf32>
      %mul3A_53 = arith.mulf %get3A_46, %get3A_46 : vector<16xf32>
      %mul3A_54 = arith.mulf %get3A_49, %get3A_49 : vector<16xf32>
      %add3A_55 = arith.addf %mul3A_53, %mul3A_54 : vector<16xf32>
      %mul3A_56 = arith.mulf %get3A_52, %get3A_52 : vector<16xf32>
      %add3A_57 = arith.addf %add3A_55, %mul3A_56 : vector<16xf32>
      %swap3A = arith.index_cast %mul3A_44 : i32 to index
      %swap3A_58 = tpu.vector_load %arg11[%swap3A] {strides = array<i32>} : memref<256xf32, #tpu.memory_space<vmem>>, vector<16xf32>,
      %swap3A_59 = vector.shape_cast %swap3A_58 : vector<16xf32> to vector<16xf32>
      %swap3A_60 = vector.shape_cast %add3A_57 : vector<16xf32> to vector<16xf32>
      tpu.vector_store %arg11[%swap3A], %swap3A_60 {strides = array<i32>} : memref<256xf32, #tpu.memory_space<vmem>>, vector<16xf32>,
    }
    %scan3A_19 = arith.constant 16 : i32
    "tpu.region"() ({
      %run_scoped3A = tpu.sem_alloc : memref<!tpu.dma_semaphore, #tpu.memory_space<semaphore_mem>>
      %dma_start3A = tpu.memref_slice %arg3[%mul3A_4] : memref<24576xf32, #tpu.memory_space<hbm>> -> memref<256xf32, #tpu.memory_space<hbm>>
      %dma_start3A_42 = tpu.memref_slice %arg3[%mul3A_4] : memref<24576xf32, #tpu.memory_space<hbm>> -> memref<256xf32, #tpu.memory_space<hbm>>
      tpu.enqueue_dma source(%dma_start3A_42 : memref<256xf32, #tpu.memory_space<hbm>>) target(%arg8 : memref<256xf32, #tpu.memory_space<vmem>>) target_semaphore(%run_scoped3A : memref<!tpu.dma_semaphore, #tpu.memory_space<semaphore_mem>>)
      %dma_wait3A = tpu.memref_slice %arg3[%mul3A_4] : memref<24576xf32, #tpu.memory_space<hbm>> -> memref<256xf32, #tpu.memory_space<hbm>>
      %dma_wait3A_43 = tpu.memref_slice %arg3[%mul3A_4] : memref<24576xf32, #tpu.memory_space<hbm>> -> memref<256xf32, #tpu.memory_space<hbm>>
      tpu.wait_dma2 semaphore(%run_scoped3A : memref<!tpu.dma_semaphore, #tpu.memory_space<semaphore_mem>>) src(%dma_wait3A_43 : memref<256xf32, #tpu.memory_space<hbm>>) dst(%arg8 : memref<256xf32, #tpu.memory_space<vmem>>)
      tpu.yield
    }) : () -> ()
    %add3A_20 = arith.constant 256 : i32
    %add3A_21 = arith.addi %mul3A_4, %add3A_20 : i32
    "tpu.region"() ({
      %run_scoped3A = tpu.sem_alloc : memref<!tpu.dma_semaphore, #tpu.memory_space<semaphore_mem>>
      %dma_start3A = tpu.memref_slice %arg3[%add3A_21] : memref<24576xf32, #tpu.memory_space<hbm>> -> memref<256xf32, #tpu.memory_space<hbm>>
      %dma_start3A_42 = tpu.memref_slice %arg3[%add3A_21] : memref<24576xf32, #tpu.memory_space<hbm>> -> memref<256xf32, #tpu.memory_space<hbm>>
      tpu.enqueue_dma source(%dma_start3A_42 : memref<256xf32, #tpu.memory_space<hbm>>) target(%arg9 : memref<256xf32, #tpu.memory_space<vmem>>) target_semaphore(%run_scoped3A : memref<!tpu.dma_semaphore, #tpu.memory_space<semaphore_mem>>)
      %dma_wait3A = tpu.memref_slice %arg3[%add3A_21] : memref<24576xf32, #tpu.memory_space<hbm>> -> memref<256xf32, #tpu.memory_space<hbm>>
      %dma_wait3A_43 = tpu.memref_slice %arg3[%add3A_21] : memref<24576xf32, #tpu.memory_space<hbm>> -> memref<256xf32, #tpu.memory_space<hbm>>
      tpu.wait_dma2 semaphore(%run_scoped3A : memref<!tpu.dma_semaphore, #tpu.memory_space<semaphore_mem>>) src(%dma_wait3A_43 : memref<256xf32, #tpu.memory_space<hbm>>) dst(%arg9 : memref<256xf32, #tpu.memory_space<vmem>>)
      tpu.yield
    }) : () -> ()
    %add3A_22 = arith.constant 512 : i32
    %add3A_23 = arith.addi %mul3A_4, %add3A_22 : i32
    "tpu.region"() ({
      %run_scoped3A = tpu.sem_alloc : memref<!tpu.dma_semaphore, #tpu.memory_space<semaphore_mem>>
      %dma_start3A = tpu.memref_slice %arg3[%add3A_23] : memref<24576xf32, #tpu.memory_space<hbm>> -> memref<256xf32, #tpu.memory_space<hbm>>
      %dma_start3A_42 = tpu.memref_slice %arg3[%add3A_23] : memref<24576xf32, #tpu.memory_space<hbm>> -> memref<256xf32, #tpu.memory_space<hbm>>
      tpu.enqueue_dma source(%dma_start3A_42 : memref<256xf32, #tpu.memory_space<hbm>>) target(%arg10 : memref<256xf32, #tpu.memory_space<vmem>>) target_semaphore(%run_scoped3A : memref<!tpu.dma_semaphore, #tpu.memory_space<semaphore_mem>>)
      %dma_wait3A = tpu.memref_slice %arg3[%add3A_23] : memref<24576xf32, #tpu.memory_space<hbm>> -> memref<256xf32, #tpu.memory_space<hbm>>
      %dma_wait3A_43 = tpu.memref_slice %arg3[%add3A_23] : memref<24576xf32, #tpu.memory_space<hbm>> -> memref<256xf32, #tpu.memory_space<hbm>>
      tpu.wait_dma2 semaphore(%run_scoped3A : memref<!tpu.dma_semaphore, #tpu.memory_space<semaphore_mem>>) src(%dma_wait3A_43 : memref<256xf32, #tpu.memory_space<hbm>>) dst(%arg10 : memref<256xf32, #tpu.memory_space<vmem>>)
      tpu.yield
    }) : () -> ()
    "tpu.region"() ({
      %run_scoped3A = tpu.sem_alloc : memref<!tpu.dma_semaphore, #tpu.memory_space<semaphore_mem>>
      %dma_start3A = arith.constant 0 : i32
      %dma_start3A_42 = tpu.memref_slice %arg5[%dma_start3A] : memref<1536xf32, #tpu.memory_space<hbm>> -> memref<512xf32, #tpu.memory_space<hbm>>
      %dma_start3A_43 = arith.constant 0 : i32
      %dma_start3A_44 = tpu.memref_slice %arg5[%dma_start3A_43] : memref<1536xf32, #tpu.memory_space<hbm>> -> memref<512xf32, #tpu.memory_space<hbm>>
      tpu.enqueue_dma source(%dma_start3A_44 : memref<512xf32, #tpu.memory_space<hbm>>) target(%arg12 : memref<512xf32, #tpu.memory_space<vmem>>) target_semaphore(%run_scoped3A : memref<!tpu.dma_semaphore, #tpu.memory_space<semaphore_mem>>)
      %dma_wait3A = arith.constant 0 : i32
      %dma_wait3A_45 = tpu.memref_slice %arg5[%dma_wait3A] : memref<1536xf32, #tpu.memory_space<hbm>> -> memref<512xf32, #tpu.memory_space<hbm>>
      %dma_wait3A_46 = arith.constant 0 : i32
      %dma_wait3A_47 = tpu.memref_slice %arg5[%dma_wait3A_46] : memref<1536xf32, #tpu.memory_space<hbm>> -> memref<512xf32, #tpu.memory_space<hbm>>
      tpu.wait_dma2 semaphore(%run_scoped3A : memref<!tpu.dma_semaphore, #tpu.memory_space<semaphore_mem>>) src(%dma_wait3A_47 : memref<512xf32, #tpu.memory_space<hbm>>) dst(%arg12 : memref<512xf32, #tpu.memory_space<vmem>>)
      tpu.yield
    }) : () -> ()
    "tpu.region"() ({
      %run_scoped3A = tpu.sem_alloc : memref<!tpu.dma_semaphore, #tpu.memory_space<semaphore_mem>>
      %dma_start3A = arith.constant 512 : i32
      %dma_start3A_42 = tpu.memref_slice %arg5[%dma_start3A] : memref<1536xf32, #tpu.memory_space<hbm>> -> memref<512xf32, #tpu.memory_space<hbm>>
      %dma_start3A_43 = arith.constant 512 : i32
      %dma_start3A_44 = tpu.memref_slice %arg5[%dma_start3A_43] : memref<1536xf32, #tpu.memory_space<hbm>> -> memref<512xf32, #tpu.memory_space<hbm>>
      tpu.enqueue_dma source(%dma_start3A_44 : memref<512xf32, #tpu.memory_space<hbm>>) target(%arg13 : memref<512xf32, #tpu.memory_space<vmem>>) target_semaphore(%run_scoped3A : memref<!tpu.dma_semaphore, #tpu.memory_space<semaphore_mem>>)
      %dma_wait3A = arith.constant 512 : i32
      %dma_wait3A_45 = tpu.memref_slice %arg5[%dma_wait3A] : memref<1536xf32, #tpu.memory_space<hbm>> -> memref<512xf32, #tpu.memory_space<hbm>>
      %dma_wait3A_46 = arith.constant 512 : i32
      %dma_wait3A_47 = tpu.memref_slice %arg5[%dma_wait3A_46] : memref<1536xf32, #tpu.memory_space<hbm>> -> memref<512xf32, #tpu.memory_space<hbm>>
      tpu.wait_dma2 semaphore(%run_scoped3A : memref<!tpu.dma_semaphore, #tpu.memory_space<semaphore_mem>>) src(%dma_wait3A_47 : memref<512xf32, #tpu.memory_space<hbm>>) dst(%arg13 : memref<512xf32, #tpu.memory_space<vmem>>)
      tpu.yield
    }) : () -> ()
    "tpu.region"() ({
      %run_scoped3A = tpu.sem_alloc : memref<!tpu.dma_semaphore, #tpu.memory_space<semaphore_mem>>
      %dma_start3A = arith.constant 1024 : i32
      %dma_start3A_42 = tpu.memref_slice %arg5[%dma_start3A] : memref<1536xf32, #tpu.memory_space<hbm>> -> memref<512xf32, #tpu.memory_space<hbm>>
      %dma_start3A_43 = arith.constant 1024 : i32
      %dma_start3A_44 = tpu.memref_slice %arg5[%dma_start3A_43] : memref<1536xf32, #tpu.memory_space<hbm>> -> memref<512xf32, #tpu.memory_space<hbm>>
      tpu.enqueue_dma source(%dma_start3A_44 : memref<512xf32, #tpu.memory_space<hbm>>) target(%arg14 : memref<512xf32, #tpu.memory_space<vmem>>) target_semaphore(%run_scoped3A : memref<!tpu.dma_semaphore, #tpu.memory_space<semaphore_mem>>)
      %dma_wait3A = arith.constant 1024 : i32
      %dma_wait3A_45 = tpu.memref_slice %arg5[%dma_wait3A] : memref<1536xf32, #tpu.memory_space<hbm>> -> memref<512xf32, #tpu.memory_space<hbm>>
      %dma_wait3A_46 = arith.constant 1024 : i32
      %dma_wait3A_47 = tpu.memref_slice %arg5[%dma_wait3A_46] : memref<1536xf32, #tpu.memory_space<hbm>> -> memref<512xf32, #tpu.memory_space<hbm>>
      tpu.wait_dma2 semaphore(%run_scoped3A : memref<!tpu.dma_semaphore, #tpu.memory_space<semaphore_mem>>) src(%dma_wait3A_47 : memref<512xf32, #tpu.memory_space<hbm>>) dst(%arg14 : memref<512xf32, #tpu.memory_space<vmem>>)
      tpu.yield
    }) : () -> ()
    %scan3A_24 = arith.constant 0 : i32
    %scan3A_25 = arith.constant 0 : i32
    %scan3A_26 = arith.constant 256 : i32
    %scan3A_27 = arith.addi %scan3A_25, %scan3A_26 : i32
    %scan3A_28 = arith.constant 1 : i32
    scf.for %scan3A_42 = %scan3A_25 to %scan3A_27 step %scan3A_28  : i32 {
      %broadcast_in_dim3A = arith.constant 0x7F800000 : f32
      %broadcast_in_dim3A_43 = vector.broadcast %broadcast_in_dim3A : f32 to vector<16xf32>
      %mul3A_44 = arith.constant 16 : i32
      %mul3A_45 = arith.muli %scan3A_42, %mul3A_44 : i32
      %swap3A = arith.index_cast %mul3A_45 : i32 to index
      %swap3A_46 = tpu.vector_load %arg17[%swap3A] {strides = array<i32>} : memref<4096xf32, #tpu.memory_space<vmem>>, vector<16xf32>,
      %swap3A_47 = vector.shape_cast %swap3A_46 : vector<16xf32> to vector<16xf32>
      %swap3A_48 = vector.shape_cast %broadcast_in_dim3A_43 : vector<16xf32> to vector<16xf32>
      tpu.vector_store %arg17[%swap3A], %swap3A_48 {strides = array<i32>} : memref<4096xf32, #tpu.memory_space<vmem>>, vector<16xf32>,
    }
    %scan3A_29 = arith.constant 256 : i32
    %scan3A_30 = arith.constant 0 : i32
    %scan3A_31 = arith.constant 0 : i32
    %scan3A_32 = arith.constant 32 : i32
    %scan3A_33 = arith.addi %scan3A_31, %scan3A_32 : i32
    %scan3A_34 = arith.constant 1 : i32
    scf.for %scan3A_42 = %scan3A_31 to %scan3A_33 step %scan3A_34  : i32 {
      %mul3A_43 = arith.constant 16 : i32
      %mul3A_44 = arith.muli %scan3A_42, %mul3A_43 : i32
      %get3A = arith.index_cast %mul3A_44 : i32 to index
      %get3A_45 = tpu.vector_load %arg12[%get3A] {strides = array<i32>} : memref<512xf32, #tpu.memory_space<vmem>>, vector<16xf32>,
      %get3A_46 = vector.shape_cast %get3A_45 : vector<16xf32> to vector<16xf32>
      %get3A_47 = arith.index_cast %mul3A_44 : i32 to index
      %get3A_48 = tpu.vector_load %arg13[%get3A_47] {strides = array<i32>} : memref<512xf32, #tpu.memory_space<vmem>>, vector<16xf32>,
      %get3A_49 = vector.shape_cast %get3A_48 : vector<16xf32> to vector<16xf32>
      %get3A_50 = arith.index_cast %mul3A_44 : i32 to index
      %get3A_51 = tpu.vector_load %arg14[%get3A_50] {strides = array<i32>} : memref<512xf32, #tpu.memory_space<vmem>>, vector<16xf32>,
      %get3A_52 = vector.shape_cast %get3A_51 : vector<16xf32> to vector<16xf32>
      %get3A_53 = arith.index_cast %mul3A_44 : i32 to index
      %get3A_54 = tpu.vector_load %arg15[%get3A_53] {strides = array<i32>} : memref<512xf32, #tpu.memory_space<vmem>>, vector<16xf32>,
      %get3A_55 = vector.shape_cast %get3A_54 : vector<16xf32> to vector<16xf32>
      %get3A_56 = arith.index_cast %mul3A_44 : i32 to index
      %get3A_57 = tpu.vector_load %arg16[%get3A_56] {strides = array<i32>} : memref<512xf32, #tpu.memory_space<vmem>>, vector<16xf32>,
      %get3A_58 = vector.shape_cast %get3A_57 : vector<16xf32> to vector<16xf32>
      %scan3A_59 = arith.constant 0 : i32
      %scan3A_60 = arith.constant 16 : i32
      %scan3A_61 = arith.addi %scan3A_59, %scan3A_60 : i32
      %scan3A_62 = arith.constant 1 : i32
      %scan3A_63 = scf.for %scan3A_68 = %scan3A_59 to %scan3A_61 step %scan3A_62 iter_args(%scan3A_69 = %get3A_58) -> (vector<16xf32>)  : i32 {
        %mul3A_70 = arith.constant 16 : i32
        %mul3A_71 = arith.muli %scan3A_68, %mul3A_70 : i32
        %get3A_72 = arith.index_cast %mul3A_71 : i32 to index
        %get3A_73 = tpu.vector_load %arg11[%get3A_72] {strides = array<i32>} : memref<256xf32, #tpu.memory_space<vmem>>, vector<16xf32>,
        %get3A_74 = vector.shape_cast %get3A_73 : vector<16xf32> to vector<16xf32>
        %get3A_75 = arith.index_cast %mul3A_71 : i32 to index
        %get3A_76 = tpu.vector_load %arg8[%get3A_75] {strides = array<i32>} : memref<256xf32, #tpu.memory_space<vmem>>, vector<16xf32>,
        %get3A_77 = vector.shape_cast %get3A_76 : vector<16xf32> to vector<16xf32>
        %get3A_78 = arith.index_cast %mul3A_71 : i32 to index
        %get3A_79 = tpu.vector_load %arg9[%get3A_78] {strides = array<i32>} : memref<256xf32, #tpu.memory_space<vmem>>, vector<16xf32>,
        %get3A_80 = vector.shape_cast %get3A_79 : vector<16xf32> to vector<16xf32>
        %get3A_81 = arith.index_cast %mul3A_71 : i32 to index
        %get3A_82 = tpu.vector_load %arg10[%get3A_81] {strides = array<i32>} : memref<256xf32, #tpu.memory_space<vmem>>, vector<16xf32>,
        %get3A_83 = vector.shape_cast %get3A_82 : vector<16xf32> to vector<16xf32>
        %slice3A = vector.extract_strided_slice %get3A_74 {offsets = [0], sizes = [1], strides = [1]} : vector<16xf32> to vector<1xf32>
        %squeeze3A = vector.extract %slice3A[0] : f32 from vector<1xf32>
        %add3A_84 = vector.broadcast %squeeze3A : f32 to vector<16xf32>
        %add3A_85 = arith.addf %get3A_55, %add3A_84 : vector<16xf32>
        %slice3A_86 = vector.extract_strided_slice %get3A_77 {offsets = [0], sizes = [1], strides = [1]} : vector<16xf32> to vector<1xf32>
        %squeeze3A_87 = vector.extract %slice3A_86[0] : f32 from vector<1xf32>
        %mul3A_88 = vector.broadcast %squeeze3A_87 : f32 to vector<16xf32>
        %mul3A_89 = arith.mulf %mul3A_88, %get3A_46 : vector<16xf32>
        %slice3A_90 = vector.extract_strided_slice %get3A_80 {offsets = [0], sizes = [1], strides = [1]} : vector<16xf32> to vector<1xf32>
        %squeeze3A_91 = vector.extract %slice3A_90[0] : f32 from vector<1xf32>
        %mul3A_92 = vector.broadcast %squeeze3A_91 : f32 to vector<16xf32>
        %mul3A_93 = arith.mulf %mul3A_92, %get3A_49 : vector<16xf32>
        %add3A_94 = arith.addf %mul3A_89, %mul3A_93 : vector<16xf32>
        %slice3A_95 = vector.extract_strided_slice %get3A_83 {offsets = [0], sizes = [1], strides = [1]} : vector<16xf32> to vector<1xf32>
        %squeeze3A_96 = vector.extract %slice3A_95[0] : f32 from vector<1xf32>
        %mul3A_97 = vector.broadcast %squeeze3A_96 : f32 to vector<16xf32>
        %mul3A_98 = arith.mulf %mul3A_97, %get3A_52 : vector<16xf32>
        %add3A_99 = arith.addf %add3A_94, %mul3A_98 : vector<16xf32>
        %add3A_100 = arith.addf %add3A_85, %add3A_99 : vector<16xf32>
        %min3A = arith.minimumf %scan3A_69, %add3A_100 : vector<16xf32>
        %add3A_101 = arith.constant 0 : i32
        %add3A_102 = arith.addi %mul3A_71, %add3A_101 : i32
        %mul3A_103 = arith.constant 16 : i32
        %mul3A_104 = arith.muli %add3A_102, %mul3A_103 : i32
        %get3A_105 = arith.index_cast %mul3A_104 : i32 to index
        %get3A_106 = tpu.vector_load %arg17[%get3A_105] {strides = array<i32>} : memref<4096xf32, #tpu.memory_space<vmem>>, vector<16xf32>,
        %get3A_107 = vector.shape_cast %get3A_106 : vector<16xf32> to vector<16xf32>
        %min3A_108 = arith.minimumf %get3A_107, %add3A_100 : vector<16xf32>
        %swap3A_109 = arith.index_cast %mul3A_104 : i32 to index
        %swap3A_110 = tpu.vector_load %arg17[%swap3A_109] {strides = array<i32>} : memref<4096xf32, #tpu.memory_space<vmem>>, vector<16xf32>,
        %swap3A_111 = vector.shape_cast %swap3A_110 : vector<16xf32> to vector<16xf32>
        %swap3A_112 = vector.shape_cast %min3A_108 : vector<16xf32> to vector<16xf32>
        tpu.vector_store %arg17[%swap3A_109], %swap3A_112 {strides = array<i32>} : memref<4096xf32, #tpu.memory_space<vmem>>, vector<16xf32>,
        %slice3A_113 = vector.extract_strided_slice %get3A_74 {offsets = [1], sizes = [1], strides = [1]} : vector<16xf32> to vector<1xf32>
        %squeeze3A_114 = vector.extract %slice3A_113[0] : f32 from vector<1xf32>
        %add3A_115 = vector.broadcast %squeeze3A_114 : f32 to vector<16xf32>
        %add3A_116 = arith.addf %get3A_55, %add3A_115 : vector<16xf32>
        %slice3A_117 = vector.extract_strided_slice %get3A_77 {offsets = [1], sizes = [1], strides = [1]} : vector<16xf32> to vector<1xf32>
        %squeeze3A_118 = vector.extract %slice3A_117[0] : f32 from vector<1xf32>
        %mul3A_119 = vector.broadcast %squeeze3A_118 : f32 to vector<16xf32>
        %mul3A_120 = arith.mulf %mul3A_119, %get3A_46 : vector<16xf32>
        %slice3A_121 = vector.extract_strided_slice %get3A_80 {offsets = [1], sizes = [1], strides = [1]} : vector<16xf32> to vector<1xf32>
        %squeeze3A_122 = vector.extract %slice3A_121[0] : f32 from vector<1xf32>
        %mul3A_123 = vector.broadcast %squeeze3A_122 : f32 to vector<16xf32>
        %mul3A_124 = arith.mulf %mul3A_123, %get3A_49 : vector<16xf32>
        %add3A_125 = arith.addf %mul3A_120, %mul3A_124 : vector<16xf32>
        %slice3A_126 = vector.extract_strided_slice %get3A_83 {offsets = [1], sizes = [1], strides = [1]} : vector<16xf32> to vector<1xf32>
        %squeeze3A_127 = vector.extract %slice3A_126[0] : f32 from vector<1xf32>
        %mul3A_128 = vector.broadcast %squeeze3A_127 : f32 to vector<16xf32>
        %mul3A_129 = arith.mulf %mul3A_128, %get3A_52 : vector<16xf32>
        %add3A_130 = arith.addf %add3A_125, %mul3A_129 : vector<16xf32>
        %add3A_131 = arith.addf %add3A_116, %add3A_130 : vector<16xf32>
        %min3A_132 = arith.minimumf %min3A, %add3A_131 : vector<16xf32>
        %add3A_133 = arith.constant 1 : i32
        %add3A_134 = arith.addi %mul3A_71, %add3A_133 : i32
        %mul3A_135 = arith.constant 16 : i32
        %mul3A_136 = arith.muli %add3A_134, %mul3A_135 : i32
        %get3A_137 = arith.index_cast %mul3A_136 : i32 to index
        %get3A_138 = tpu.vector_load %arg17[%get3A_137] {strides = array<i32>} : memref<4096xf32, #tpu.memory_space<vmem>>, vector<16xf32>,
        %get3A_139 = vector.shape_cast %get3A_138 : vector<16xf32> to vector<16xf32>
        %min3A_140 = arith.minimumf %get3A_139, %add3A_131 : vector<16xf32>
        %swap3A_141 = arith.index_cast %mul3A_136 : i32 to index
        %swap3A_142 = tpu.vector_load %arg17[%swap3A_141] {strides = array<i32>} : memref<4096xf32, #tpu.memory_space<vmem>>, vector<16xf32>,
        %swap3A_143 = vector.shape_cast %swap3A_142 : vector<16xf32> to vector<16xf32>
        %swap3A_144 = vector.shape_cast %min3A_140 : vector<16xf32> to vector<16xf32>
        tpu.vector_store %arg17[%swap3A_141], %swap3A_144 {strides = array<i32>} : memref<4096xf32, #tpu.memory_space<vmem>>, vector<16xf32>,
        %slice3A_145 = vector.extract_strided_slice %get3A_74 {offsets = [2], sizes = [1], strides = [1]} : vector<16xf32> to vector<1xf32>
        %squeeze3A_146 = vector.extract %slice3A_145[0] : f32 from vector<1xf32>
        %add3A_147 = vector.broadcast %squeeze3A_146 : f32 to vector<16xf32>
        %add3A_148 = arith.addf %get3A_55, %add3A_147 : vector<16xf32>
        %slice3A_149 = vector.extract_strided_slice %get3A_77 {offsets = [2], sizes = [1], strides = [1]} : vector<16xf32> to vector<1xf32>
        %squeeze3A_150 = vector.extract %slice3A_149[0] : f32 from vector<1xf32>
        %mul3A_151 = vector.broadcast %squeeze3A_150 : f32 to vector<16xf32>
        %mul3A_152 = arith.mulf %mul3A_151, %get3A_46 : vector<16xf32>
        %slice3A_153 = vector.extract_strided_slice %get3A_80 {offsets = [2], sizes = [1], strides = [1]} : vector<16xf32> to vector<1xf32>
        %squeeze3A_154 = vector.extract %slice3A_153[0] : f32 from vector<1xf32>
        %mul3A_155 = vector.broadcast %squeeze3A_154 : f32 to vector<16xf32>
        %mul3A_156 = arith.mulf %mul3A_155, %get3A_49 : vector<16xf32>
        %add3A_157 = arith.addf %mul3A_152, %mul3A_156 : vector<16xf32>
        %slice3A_158 = vector.extract_strided_slice %get3A_83 {offsets = [2], sizes = [1], strides = [1]} : vector<16xf32> to vector<1xf32>
        %squeeze3A_159 = vector.extract %slice3A_158[0] : f32 from vector<1xf32>
        %mul3A_160 = vector.broadcast %squeeze3A_159 : f32 to vector<16xf32>
        %mul3A_161 = arith.mulf %mul3A_160, %get3A_52 : vector<16xf32>
        %add3A_162 = arith.addf %add3A_157, %mul3A_161 : vector<16xf32>
        %add3A_163 = arith.addf %add3A_148, %add3A_162 : vector<16xf32>
        %min3A_164 = arith.minimumf %min3A_132, %add3A_163 : vector<16xf32>
        %add3A_165 = arith.constant 2 : i32
        %add3A_166 = arith.addi %mul3A_71, %add3A_165 : i32
        %mul3A_167 = arith.constant 16 : i32
        %mul3A_168 = arith.muli %add3A_166, %mul3A_167 : i32
        %get3A_169 = arith.index_cast %mul3A_168 : i32 to index
        %get3A_170 = tpu.vector_load %arg17[%get3A_169] {strides = array<i32>} : memref<4096xf32, #tpu.memory_space<vmem>>, vector<16xf32>,
        %get3A_171 = vector.shape_cast %get3A_170 : vector<16xf32> to vector<16xf32>
        %min3A_172 = arith.minimumf %get3A_171, %add3A_163 : vector<16xf32>
        %swap3A_173 = arith.index_cast %mul3A_168 : i32 to index
        %swap3A_174 = tpu.vector_load %arg17[%swap3A_173] {strides = array<i32>} : memref<4096xf32, #tpu.memory_space<vmem>>, vector<16xf32>,
        %swap3A_175 = vector.shape_cast %swap3A_174 : vector<16xf32> to vector<16xf32>
        %swap3A_176 = vector.shape_cast %min3A_172 : vector<16xf32> to vector<16xf32>
        tpu.vector_store %arg17[%swap3A_173], %swap3A_176 {strides = array<i32>} : memref<4096xf32, #tpu.memory_space<vmem>>, vector<16xf32>,
        %slice3A_177 = vector.extract_strided_slice %get3A_74 {offsets = [3], sizes = [1], strides = [1]} : vector<16xf32> to vector<1xf32>
        %squeeze3A_178 = vector.extract %slice3A_177[0] : f32 from vector<1xf32>
        %add3A_179 = vector.broadcast %squeeze3A_178 : f32 to vector<16xf32>
        %add3A_180 = arith.addf %get3A_55, %add3A_179 : vector<16xf32>
        %slice3A_181 = vector.extract_strided_slice %get3A_77 {offsets = [3], sizes = [1], strides = [1]} : vector<16xf32> to vector<1xf32>
        %squeeze3A_182 = vector.extract %slice3A_181[0] : f32 from vector<1xf32>
        %mul3A_183 = vector.broadcast %squeeze3A_182 : f32 to vector<16xf32>
        %mul3A_184 = arith.mulf %mul3A_183, %get3A_46 : vector<16xf32>
        %slice3A_185 = vector.extract_strided_slice %get3A_80 {offsets = [3], sizes = [1], strides = [1]} : vector<16xf32> to vector<1xf32>
        %squeeze3A_186 = vector.extract %slice3A_185[0] : f32 from vector<1xf32>
        %mul3A_187 = vector.broadcast %squeeze3A_186 : f32 to vector<16xf32>
        %mul3A_188 = arith.mulf %mul3A_187, %get3A_49 : vector<16xf32>
        %add3A_189 = arith.addf %mul3A_184, %mul3A_188 : vector<16xf32>
        %slice3A_190 = vector.extract_strided_slice %get3A_83 {offsets = [3], sizes = [1], strides = [1]} : vector<16xf32> to vector<1xf32>
        %squeeze3A_191 = vector.extract %slice3A_190[0] : f32 from vector<1xf32>
        %mul3A_192 = vector.broadcast %squeeze3A_191 : f32 to vector<16xf32>
        %mul3A_193 = arith.mulf %mul3A_192, %get3A_52 : vector<16xf32>
        %add3A_194 = arith.addf %add3A_189, %mul3A_193 : vector<16xf32>
        %add3A_195 = arith.addf %add3A_180, %add3A_194 : vector<16xf32>
        %min3A_196 = arith.minimumf %min3A_164, %add3A_195 : vector<16xf32>
        %add3A_197 = arith.constant 3 : i32
        %add3A_198 = arith.addi %mul3A_71, %add3A_197 : i32
        %mul3A_199 = arith.constant 16 : i32
        %mul3A_200 = arith.muli %add3A_198, %mul3A_199 : i32
        %get3A_201 = arith.index_cast %mul3A_200 : i32 to index
        %get3A_202 = tpu.vector_load %arg17[%get3A_201] {strides = array<i32>} : memref<4096xf32, #tpu.memory_space<vmem>>, vector<16xf32>,
        %get3A_203 = vector.shape_cast %get3A_202 : vector<16xf32> to vector<16xf32>
        %min3A_204 = arith.minimumf %get3A_203, %add3A_195 : vector<16xf32>
        %swap3A_205 = arith.index_cast %mul3A_200 : i32 to index
        %swap3A_206 = tpu.vector_load %arg17[%swap3A_205] {strides = array<i32>} : memref<4096xf32, #tpu.memory_space<vmem>>, vector<16xf32>,
        %swap3A_207 = vector.shape_cast %swap3A_206 : vector<16xf32> to vector<16xf32>
        %swap3A_208 = vector.shape_cast %min3A_204 : vector<16xf32> to vector<16xf32>
        tpu.vector_store %arg17[%swap3A_205], %swap3A_208 {strides = array<i32>} : memref<4096xf32, #tpu.memory_space<vmem>>, vector<16xf32>,
        %slice3A_209 = vector.extract_strided_slice %get3A_74 {offsets = [4], sizes = [1], strides = [1]} : vector<16xf32> to vector<1xf32>
        %squeeze3A_210 = vector.extract %slice3A_209[0] : f32 from vector<1xf32>
        %add3A_211 = vector.broadcast %squeeze3A_210 : f32 to vector<16xf32>
        %add3A_212 = arith.addf %get3A_55, %add3A_211 : vector<16xf32>
        %slice3A_213 = vector.extract_strided_slice %get3A_77 {offsets = [4], sizes = [1], strides = [1]} : vector<16xf32> to vector<1xf32>
        %squeeze3A_214 = vector.extract %slice3A_213[0] : f32 from vector<1xf32>
        %mul3A_215 = vector.broadcast %squeeze3A_214 : f32 to vector<16xf32>
        %mul3A_216 = arith.mulf %mul3A_215, %get3A_46 : vector<16xf32>
        %slice3A_217 = vector.extract_strided_slice %get3A_80 {offsets = [4], sizes = [1], strides = [1]} : vector<16xf32> to vector<1xf32>
        %squeeze3A_218 = vector.extract %slice3A_217[0] : f32 from vector<1xf32>
        %mul3A_219 = vector.broadcast %squeeze3A_218 : f32 to vector<16xf32>
        %mul3A_220 = arith.mulf %mul3A_219, %get3A_49 : vector<16xf32>
        %add3A_221 = arith.addf %mul3A_216, %mul3A_220 : vector<16xf32>
        %slice3A_222 = vector.extract_strided_slice %get3A_83 {offsets = [4], sizes = [1], strides = [1]} : vector<16xf32> to vector<1xf32>
        %squeeze3A_223 = vector.extract %slice3A_222[0] : f32 from vector<1xf32>
        %mul3A_224 = vector.broadcast %squeeze3A_223 : f32 to vector<16xf32>
        %mul3A_225 = arith.mulf %mul3A_224, %get3A_52 : vector<16xf32>
        %add3A_226 = arith.addf %add3A_221, %mul3A_225 : vector<16xf32>
        %add3A_227 = arith.addf %add3A_212, %add3A_226 : vector<16xf32>
        %min3A_228 = arith.minimumf %min3A_196, %add3A_227 : vector<16xf32>
        %add3A_229 = arith.constant 4 : i32
        %add3A_230 = arith.addi %mul3A_71, %add3A_229 : i32
        %mul3A_231 = arith.constant 16 : i32
        %mul3A_232 = arith.muli %add3A_230, %mul3A_231 : i32
        %get3A_233 = arith.index_cast %mul3A_232 : i32 to index
        %get3A_234 = tpu.vector_load %arg17[%get3A_233] {strides = array<i32>} : memref<4096xf32, #tpu.memory_space<vmem>>, vector<16xf32>,
        %get3A_235 = vector.shape_cast %get3A_234 : vector<16xf32> to vector<16xf32>
        %min3A_236 = arith.minimumf %get3A_235, %add3A_227 : vector<16xf32>
        %swap3A_237 = arith.index_cast %mul3A_232 : i32 to index
        %swap3A_238 = tpu.vector_load %arg17[%swap3A_237] {strides = array<i32>} : memref<4096xf32, #tpu.memory_space<vmem>>, vector<16xf32>,
        %swap3A_239 = vector.shape_cast %swap3A_238 : vector<16xf32> to vector<16xf32>
        %swap3A_240 = vector.shape_cast %min3A_236 : vector<16xf32> to vector<16xf32>
        tpu.vector_store %arg17[%swap3A_237], %swap3A_240 {strides = array<i32>} : memref<4096xf32, #tpu.memory_space<vmem>>, vector<16xf32>,
        %slice3A_241 = vector.extract_strided_slice %get3A_74 {offsets = [5], sizes = [1], strides = [1]} : vector<16xf32> to vector<1xf32>
        %squeeze3A_242 = vector.extract %slice3A_241[0] : f32 from vector<1xf32>
        %add3A_243 = vector.broadcast %squeeze3A_242 : f32 to vector<16xf32>
        %add3A_244 = arith.addf %get3A_55, %add3A_243 : vector<16xf32>
        %slice3A_245 = vector.extract_strided_slice %get3A_77 {offsets = [5], sizes = [1], strides = [1]} : vector<16xf32> to vector<1xf32>
        %squeeze3A_246 = vector.extract %slice3A_245[0] : f32 from vector<1xf32>
        %mul3A_247 = vector.broadcast %squeeze3A_246 : f32 to vector<16xf32>
        %mul3A_248 = arith.mulf %mul3A_247, %get3A_46 : vector<16xf32>
        %slice3A_249 = vector.extract_strided_slice %get3A_80 {offsets = [5], sizes = [1], strides = [1]} : vector<16xf32> to vector<1xf32>
        %squeeze3A_250 = vector.extract %slice3A_249[0] : f32 from vector<1xf32>
        %mul3A_251 = vector.broadcast %squeeze3A_250 : f32 to vector<16xf32>
        %mul3A_252 = arith.mulf %mul3A_251, %get3A_49 : vector<16xf32>
        %add3A_253 = arith.addf %mul3A_248, %mul3A_252 : vector<16xf32>
        %slice3A_254 = vector.extract_strided_slice %get3A_83 {offsets = [5], sizes = [1], strides = [1]} : vector<16xf32> to vector<1xf32>
        %squeeze3A_255 = vector.extract %slice3A_254[0] : f32 from vector<1xf32>
        %mul3A_256 = vector.broadcast %squeeze3A_255 : f32 to vector<16xf32>
        %mul3A_257 = arith.mulf %mul3A_256, %get3A_52 : vector<16xf32>
        %add3A_258 = arith.addf %add3A_253, %mul3A_257 : vector<16xf32>
        %add3A_259 = arith.addf %add3A_244, %add3A_258 : vector<16xf32>
        %min3A_260 = arith.minimumf %min3A_228, %add3A_259 : vector<16xf32>
        %add3A_261 = arith.constant 5 : i32
        %add3A_262 = arith.addi %mul3A_71, %add3A_261 : i32
        %mul3A_263 = arith.constant 16 : i32
        %mul3A_264 = arith.muli %add3A_262, %mul3A_263 : i32
        %get3A_265 = arith.index_cast %mul3A_264 : i32 to index
        %get3A_266 = tpu.vector_load %arg17[%get3A_265] {strides = array<i32>} : memref<4096xf32, #tpu.memory_space<vmem>>, vector<16xf32>,
        %get3A_267 = vector.shape_cast %get3A_266 : vector<16xf32> to vector<16xf32>
        %min3A_268 = arith.minimumf %get3A_267, %add3A_259 : vector<16xf32>
        %swap3A_269 = arith.index_cast %mul3A_264 : i32 to index
        %swap3A_270 = tpu.vector_load %arg17[%swap3A_269] {strides = array<i32>} : memref<4096xf32, #tpu.memory_space<vmem>>, vector<16xf32>,
        %swap3A_271 = vector.shape_cast %swap3A_270 : vector<16xf32> to vector<16xf32>
        %swap3A_272 = vector.shape_cast %min3A_268 : vector<16xf32> to vector<16xf32>
        tpu.vector_store %arg17[%swap3A_269], %swap3A_272 {strides = array<i32>} : memref<4096xf32, #tpu.memory_space<vmem>>, vector<16xf32>,
        %slice3A_273 = vector.extract_strided_slice %get3A_74 {offsets = [6], sizes = [1], strides = [1]} : vector<16xf32> to vector<1xf32>
        %squeeze3A_274 = vector.extract %slice3A_273[0] : f32 from vector<1xf32>
        %add3A_275 = vector.broadcast %squeeze3A_274 : f32 to vector<16xf32>
        %add3A_276 = arith.addf %get3A_55, %add3A_275 : vector<16xf32>
        %slice3A_277 = vector.extract_strided_slice %get3A_77 {offsets = [6], sizes = [1], strides = [1]} : vector<16xf32> to vector<1xf32>
        %squeeze3A_278 = vector.extract %slice3A_277[0] : f32 from vector<1xf32>
        %mul3A_279 = vector.broadcast %squeeze3A_278 : f32 to vector<16xf32>
        %mul3A_280 = arith.mulf %mul3A_279, %get3A_46 : vector<16xf32>
        %slice3A_281 = vector.extract_strided_slice %get3A_80 {offsets = [6], sizes = [1], strides = [1]} : vector<16xf32> to vector<1xf32>
        %squeeze3A_282 = vector.extract %slice3A_281[0] : f32 from vector<1xf32>
        %mul3A_283 = vector.broadcast %squeeze3A_282 : f32 to vector<16xf32>
        %mul3A_284 = arith.mulf %mul3A_283, %get3A_49 : vector<16xf32>
        %add3A_285 = arith.addf %mul3A_280, %mul3A_284 : vector<16xf32>
        %slice3A_286 = vector.extract_strided_slice %get3A_83 {offsets = [6], sizes = [1], strides = [1]} : vector<16xf32> to vector<1xf32>
        %squeeze3A_287 = vector.extract %slice3A_286[0] : f32 from vector<1xf32>
        %mul3A_288 = vector.broadcast %squeeze3A_287 : f32 to vector<16xf32>
        %mul3A_289 = arith.mulf %mul3A_288, %get3A_52 : vector<16xf32>
        %add3A_290 = arith.addf %add3A_285, %mul3A_289 : vector<16xf32>
        %add3A_291 = arith.addf %add3A_276, %add3A_290 : vector<16xf32>
        %min3A_292 = arith.minimumf %min3A_260, %add3A_291 : vector<16xf32>
        %add3A_293 = arith.constant 6 : i32
        %add3A_294 = arith.addi %mul3A_71, %add3A_293 : i32
        %mul3A_295 = arith.constant 16 : i32
        %mul3A_296 = arith.muli %add3A_294, %mul3A_295 : i32
        %get3A_297 = arith.index_cast %mul3A_296 : i32 to index
        %get3A_298 = tpu.vector_load %arg17[%get3A_297] {strides = array<i32>} : memref<4096xf32, #tpu.memory_space<vmem>>, vector<16xf32>,
        %get3A_299 = vector.shape_cast %get3A_298 : vector<16xf32> to vector<16xf32>
        %min3A_300 = arith.minimumf %get3A_299, %add3A_291 : vector<16xf32>
        %swap3A_301 = arith.index_cast %mul3A_296 : i32 to index
        %swap3A_302 = tpu.vector_load %arg17[%swap3A_301] {strides = array<i32>} : memref<4096xf32, #tpu.memory_space<vmem>>, vector<16xf32>,
        %swap3A_303 = vector.shape_cast %swap3A_302 : vector<16xf32> to vector<16xf32>
        %swap3A_304 = vector.shape_cast %min3A_300 : vector<16xf32> to vector<16xf32>
        tpu.vector_store %arg17[%swap3A_301], %swap3A_304 {strides = array<i32>} : memref<4096xf32, #tpu.memory_space<vmem>>, vector<16xf32>,
        %slice3A_305 = vector.extract_strided_slice %get3A_74 {offsets = [7], sizes = [1], strides = [1]} : vector<16xf32> to vector<1xf32>
        %squeeze3A_306 = vector.extract %slice3A_305[0] : f32 from vector<1xf32>
        %add3A_307 = vector.broadcast %squeeze3A_306 : f32 to vector<16xf32>
        %add3A_308 = arith.addf %get3A_55, %add3A_307 : vector<16xf32>
        %slice3A_309 = vector.extract_strided_slice %get3A_77 {offsets = [7], sizes = [1], strides = [1]} : vector<16xf32> to vector<1xf32>
        %squeeze3A_310 = vector.extract %slice3A_309[0] : f32 from vector<1xf32>
        %mul3A_311 = vector.broadcast %squeeze3A_310 : f32 to vector<16xf32>
        %mul3A_312 = arith.mulf %mul3A_311, %get3A_46 : vector<16xf32>
        %slice3A_313 = vector.extract_strided_slice %get3A_80 {offsets = [7], sizes = [1], strides = [1]} : vector<16xf32> to vector<1xf32>
        %squeeze3A_314 = vector.extract %slice3A_313[0] : f32 from vector<1xf32>
        %mul3A_315 = vector.broadcast %squeeze3A_314 : f32 to vector<16xf32>
        %mul3A_316 = arith.mulf %mul3A_315, %get3A_49 : vector<16xf32>
        %add3A_317 = arith.addf %mul3A_312, %mul3A_316 : vector<16xf32>
        %slice3A_318 = vector.extract_strided_slice %get3A_83 {offsets = [7], sizes = [1], strides = [1]} : vector<16xf32> to vector<1xf32>
        %squeeze3A_319 = vector.extract %slice3A_318[0] : f32 from vector<1xf32>
        %mul3A_320 = vector.broadcast %squeeze3A_319 : f32 to vector<16xf32>
        %mul3A_321 = arith.mulf %mul3A_320, %get3A_52 : vector<16xf32>
        %add3A_322 = arith.addf %add3A_317, %mul3A_321 : vector<16xf32>
        %add3A_323 = arith.addf %add3A_308, %add3A_322 : vector<16xf32>
        %min3A_324 = arith.minimumf %min3A_292, %add3A_323 : vector<16xf32>
        %add3A_325 = arith.constant 7 : i32
        %add3A_326 = arith.addi %mul3A_71, %add3A_325 : i32
        %mul3A_327 = arith.constant 16 : i32
        %mul3A_328 = arith.muli %add3A_326, %mul3A_327 : i32
        %get3A_329 = arith.index_cast %mul3A_328 : i32 to index
        %get3A_330 = tpu.vector_load %arg17[%get3A_329] {strides = array<i32>} : memref<4096xf32, #tpu.memory_space<vmem>>, vector<16xf32>,
        %get3A_331 = vector.shape_cast %get3A_330 : vector<16xf32> to vector<16xf32>
        %min3A_332 = arith.minimumf %get3A_331, %add3A_323 : vector<16xf32>
        %swap3A_333 = arith.index_cast %mul3A_328 : i32 to index
        %swap3A_334 = tpu.vector_load %arg17[%swap3A_333] {strides = array<i32>} : memref<4096xf32, #tpu.memory_space<vmem>>, vector<16xf32>,
        %swap3A_335 = vector.shape_cast %swap3A_334 : vector<16xf32> to vector<16xf32>
        %swap3A_336 = vector.shape_cast %min3A_332 : vector<16xf32> to vector<16xf32>
        tpu.vector_store %arg17[%swap3A_333], %swap3A_336 {strides = array<i32>} : memref<4096xf32, #tpu.memory_space<vmem>>, vector<16xf32>,
        %slice3A_337 = vector.extract_strided_slice %get3A_74 {offsets = [8], sizes = [1], strides = [1]} : vector<16xf32> to vector<1xf32>
        %squeeze3A_338 = vector.extract %slice3A_337[0] : f32 from vector<1xf32>
        %add3A_339 = vector.broadcast %squeeze3A_338 : f32 to vector<16xf32>
        %add3A_340 = arith.addf %get3A_55, %add3A_339 : vector<16xf32>
        %slice3A_341 = vector.extract_strided_slice %get3A_77 {offsets = [8], sizes = [1], strides = [1]} : vector<16xf32> to vector<1xf32>
        %squeeze3A_342 = vector.extract %slice3A_341[0] : f32 from vector<1xf32>
        %mul3A_343 = vector.broadcast %squeeze3A_342 : f32 to vector<16xf32>
        %mul3A_344 = arith.mulf %mul3A_343, %get3A_46 : vector<16xf32>
        %slice3A_345 = vector.extract_strided_slice %get3A_80 {offsets = [8], sizes = [1], strides = [1]} : vector<16xf32> to vector<1xf32>
        %squeeze3A_346 = vector.extract %slice3A_345[0] : f32 from vector<1xf32>
        %mul3A_347 = vector.broadcast %squeeze3A_346 : f32 to vector<16xf32>
        %mul3A_348 = arith.mulf %mul3A_347, %get3A_49 : vector<16xf32>
        %add3A_349 = arith.addf %mul3A_344, %mul3A_348 : vector<16xf32>
        %slice3A_350 = vector.extract_strided_slice %get3A_83 {offsets = [8], sizes = [1], strides = [1]} : vector<16xf32> to vector<1xf32>
        %squeeze3A_351 = vector.extract %slice3A_350[0] : f32 from vector<1xf32>
        %mul3A_352 = vector.broadcast %squeeze3A_351 : f32 to vector<16xf32>
        %mul3A_353 = arith.mulf %mul3A_352, %get3A_52 : vector<16xf32>
        %add3A_354 = arith.addf %add3A_349, %mul3A_353 : vector<16xf32>
        %add3A_355 = arith.addf %add3A_340, %add3A_354 : vector<16xf32>
        %min3A_356 = arith.minimumf %min3A_324, %add3A_355 : vector<16xf32>
        %add3A_357 = arith.constant 8 : i32
        %add3A_358 = arith.addi %mul3A_71, %add3A_357 : i32
        %mul3A_359 = arith.constant 16 : i32
        %mul3A_360 = arith.muli %add3A_358, %mul3A_359 : i32
        %get3A_361 = arith.index_cast %mul3A_360 : i32 to index
        %get3A_362 = tpu.vector_load %arg17[%get3A_361] {strides = array<i32>} : memref<4096xf32, #tpu.memory_space<vmem>>, vector<16xf32>,
        %get3A_363 = vector.shape_cast %get3A_362 : vector<16xf32> to vector<16xf32>
        %min3A_364 = arith.minimumf %get3A_363, %add3A_355 : vector<16xf32>
        %swap3A_365 = arith.index_cast %mul3A_360 : i32 to index
        %swap3A_366 = tpu.vector_load %arg17[%swap3A_365] {strides = array<i32>} : memref<4096xf32, #tpu.memory_space<vmem>>, vector<16xf32>,
        %swap3A_367 = vector.shape_cast %swap3A_366 : vector<16xf32> to vector<16xf32>
        %swap3A_368 = vector.shape_cast %min3A_364 : vector<16xf32> to vector<16xf32>
        tpu.vector_store %arg17[%swap3A_365], %swap3A_368 {strides = array<i32>} : memref<4096xf32, #tpu.memory_space<vmem>>, vector<16xf32>,
        %slice3A_369 = vector.extract_strided_slice %get3A_74 {offsets = [9], sizes = [1], strides = [1]} : vector<16xf32> to vector<1xf32>
        %squeeze3A_370 = vector.extract %slice3A_369[0] : f32 from vector<1xf32>
        %add3A_371 = vector.broadcast %squeeze3A_370 : f32 to vector<16xf32>
        %add3A_372 = arith.addf %get3A_55, %add3A_371 : vector<16xf32>
        %slice3A_373 = vector.extract_strided_slice %get3A_77 {offsets = [9], sizes = [1], strides = [1]} : vector<16xf32> to vector<1xf32>
        %squeeze3A_374 = vector.extract %slice3A_373[0] : f32 from vector<1xf32>
        %mul3A_375 = vector.broadcast %squeeze3A_374 : f32 to vector<16xf32>
        %mul3A_376 = arith.mulf %mul3A_375, %get3A_46 : vector<16xf32>
        %slice3A_377 = vector.extract_strided_slice %get3A_80 {offsets = [9], sizes = [1], strides = [1]} : vector<16xf32> to vector<1xf32>
        %squeeze3A_378 = vector.extract %slice3A_377[0] : f32 from vector<1xf32>
        %mul3A_379 = vector.broadcast %squeeze3A_378 : f32 to vector<16xf32>
        %mul3A_380 = arith.mulf %mul3A_379, %get3A_49 : vector<16xf32>
        %add3A_381 = arith.addf %mul3A_376, %mul3A_380 : vector<16xf32>
        %slice3A_382 = vector.extract_strided_slice %get3A_83 {offsets = [9], sizes = [1], strides = [1]} : vector<16xf32> to vector<1xf32>
        %squeeze3A_383 = vector.extract %slice3A_382[0] : f32 from vector<1xf32>
        %mul3A_384 = vector.broadcast %squeeze3A_383 : f32 to vector<16xf32>
        %mul3A_385 = arith.mulf %mul3A_384, %get3A_52 : vector<16xf32>
        %add3A_386 = arith.addf %add3A_381, %mul3A_385 : vector<16xf32>
        %add3A_387 = arith.addf %add3A_372, %add3A_386 : vector<16xf32>
        %min3A_388 = arith.minimumf %min3A_356, %add3A_387 : vector<16xf32>
        %add3A_389 = arith.constant 9 : i32
        %add3A_390 = arith.addi %mul3A_71, %add3A_389 : i32
        %mul3A_391 = arith.constant 16 : i32
        %mul3A_392 = arith.muli %add3A_390, %mul3A_391 : i32
        %get3A_393 = arith.index_cast %mul3A_392 : i32 to index
        %get3A_394 = tpu.vector_load %arg17[%get3A_393] {strides = array<i32>} : memref<4096xf32, #tpu.memory_space<vmem>>, vector<16xf32>,
        %get3A_395 = vector.shape_cast %get3A_394 : vector<16xf32> to vector<16xf32>
        %min3A_396 = arith.minimumf %get3A_395, %add3A_387 : vector<16xf32>
        %swap3A_397 = arith.index_cast %mul3A_392 : i32 to index
        %swap3A_398 = tpu.vector_load %arg17[%swap3A_397] {strides = array<i32>} : memref<4096xf32, #tpu.memory_space<vmem>>, vector<16xf32>,
        %swap3A_399 = vector.shape_cast %swap3A_398 : vector<16xf32> to vector<16xf32>
        %swap3A_400 = vector.shape_cast %min3A_396 : vector<16xf32> to vector<16xf32>
        tpu.vector_store %arg17[%swap3A_397], %swap3A_400 {strides = array<i32>} : memref<4096xf32, #tpu.memory_space<vmem>>, vector<16xf32>,
        %slice3A_401 = vector.extract_strided_slice %get3A_74 {offsets = [10], sizes = [1], strides = [1]} : vector<16xf32> to vector<1xf32>
        %squeeze3A_402 = vector.extract %slice3A_401[0] : f32 from vector<1xf32>
        %add3A_403 = vector.broadcast %squeeze3A_402 : f32 to vector<16xf32>
        %add3A_404 = arith.addf %get3A_55, %add3A_403 : vector<16xf32>
        %slice3A_405 = vector.extract_strided_slice %get3A_77 {offsets = [10], sizes = [1], strides = [1]} : vector<16xf32> to vector<1xf32>
        %squeeze3A_406 = vector.extract %slice3A_405[0] : f32 from vector<1xf32>
        %mul3A_407 = vector.broadcast %squeeze3A_406 : f32 to vector<16xf32>
        %mul3A_408 = arith.mulf %mul3A_407, %get3A_46 : vector<16xf32>
        %slice3A_409 = vector.extract_strided_slice %get3A_80 {offsets = [10], sizes = [1], strides = [1]} : vector<16xf32> to vector<1xf32>
        %squeeze3A_410 = vector.extract %slice3A_409[0] : f32 from vector<1xf32>
        %mul3A_411 = vector.broadcast %squeeze3A_410 : f32 to vector<16xf32>
        %mul3A_412 = arith.mulf %mul3A_411, %get3A_49 : vector<16xf32>
        %add3A_413 = arith.addf %mul3A_408, %mul3A_412 : vector<16xf32>
        %slice3A_414 = vector.extract_strided_slice %get3A_83 {offsets = [10], sizes = [1], strides = [1]} : vector<16xf32> to vector<1xf32>
        %squeeze3A_415 = vector.extract %slice3A_414[0] : f32 from vector<1xf32>
        %mul3A_416 = vector.broadcast %squeeze3A_415 : f32 to vector<16xf32>
        %mul3A_417 = arith.mulf %mul3A_416, %get3A_52 : vector<16xf32>
        %add3A_418 = arith.addf %add3A_413, %mul3A_417 : vector<16xf32>
        %add3A_419 = arith.addf %add3A_404, %add3A_418 : vector<16xf32>
        %min3A_420 = arith.minimumf %min3A_388, %add3A_419 : vector<16xf32>
        %add3A_421 = arith.constant 10 : i32
        %add3A_422 = arith.addi %mul3A_71, %add3A_421 : i32
        %mul3A_423 = arith.constant 16 : i32
        %mul3A_424 = arith.muli %add3A_422, %mul3A_423 : i32
        %get3A_425 = arith.index_cast %mul3A_424 : i32 to index
        %get3A_426 = tpu.vector_load %arg17[%get3A_425] {strides = array<i32>} : memref<4096xf32, #tpu.memory_space<vmem>>, vector<16xf32>,
        %get3A_427 = vector.shape_cast %get3A_426 : vector<16xf32> to vector<16xf32>
        %min3A_428 = arith.minimumf %get3A_427, %add3A_419 : vector<16xf32>
        %swap3A_429 = arith.index_cast %mul3A_424 : i32 to index
        %swap3A_430 = tpu.vector_load %arg17[%swap3A_429] {strides = array<i32>} : memref<4096xf32, #tpu.memory_space<vmem>>, vector<16xf32>,
        %swap3A_431 = vector.shape_cast %swap3A_430 : vector<16xf32> to vector<16xf32>
        %swap3A_432 = vector.shape_cast %min3A_428 : vector<16xf32> to vector<16xf32>
        tpu.vector_store %arg17[%swap3A_429], %swap3A_432 {strides = array<i32>} : memref<4096xf32, #tpu.memory_space<vmem>>, vector<16xf32>,
        %slice3A_433 = vector.extract_strided_slice %get3A_74 {offsets = [11], sizes = [1], strides = [1]} : vector<16xf32> to vector<1xf32>
        %squeeze3A_434 = vector.extract %slice3A_433[0] : f32 from vector<1xf32>
        %add3A_435 = vector.broadcast %squeeze3A_434 : f32 to vector<16xf32>
        %add3A_436 = arith.addf %get3A_55, %add3A_435 : vector<16xf32>
        %slice3A_437 = vector.extract_strided_slice %get3A_77 {offsets = [11], sizes = [1], strides = [1]} : vector<16xf32> to vector<1xf32>
        %squeeze3A_438 = vector.extract %slice3A_437[0] : f32 from vector<1xf32>
        %mul3A_439 = vector.broadcast %squeeze3A_438 : f32 to vector<16xf32>
        %mul3A_440 = arith.mulf %mul3A_439, %get3A_46 : vector<16xf32>
        %slice3A_441 = vector.extract_strided_slice %get3A_80 {offsets = [11], sizes = [1], strides = [1]} : vector<16xf32> to vector<1xf32>
        %squeeze3A_442 = vector.extract %slice3A_441[0] : f32 from vector<1xf32>
        %mul3A_443 = vector.broadcast %squeeze3A_442 : f32 to vector<16xf32>
        %mul3A_444 = arith.mulf %mul3A_443, %get3A_49 : vector<16xf32>
        %add3A_445 = arith.addf %mul3A_440, %mul3A_444 : vector<16xf32>
        %slice3A_446 = vector.extract_strided_slice %get3A_83 {offsets = [11], sizes = [1], strides = [1]} : vector<16xf32> to vector<1xf32>
        %squeeze3A_447 = vector.extract %slice3A_446[0] : f32 from vector<1xf32>
        %mul3A_448 = vector.broadcast %squeeze3A_447 : f32 to vector<16xf32>
        %mul3A_449 = arith.mulf %mul3A_448, %get3A_52 : vector<16xf32>
        %add3A_450 = arith.addf %add3A_445, %mul3A_449 : vector<16xf32>
        %add3A_451 = arith.addf %add3A_436, %add3A_450 : vector<16xf32>
        %min3A_452 = arith.minimumf %min3A_420, %add3A_451 : vector<16xf32>
        %add3A_453 = arith.constant 11 : i32
        %add3A_454 = arith.addi %mul3A_71, %add3A_453 : i32
        %mul3A_455 = arith.constant 16 : i32
        %mul3A_456 = arith.muli %add3A_454, %mul3A_455 : i32
        %get3A_457 = arith.index_cast %mul3A_456 : i32 to index
        %get3A_458 = tpu.vector_load %arg17[%get3A_457] {strides = array<i32>} : memref<4096xf32, #tpu.memory_space<vmem>>, vector<16xf32>,
        %get3A_459 = vector.shape_cast %get3A_458 : vector<16xf32> to vector<16xf32>
        %min3A_460 = arith.minimumf %get3A_459, %add3A_451 : vector<16xf32>
        %swap3A_461 = arith.index_cast %mul3A_456 : i32 to index
        %swap3A_462 = tpu.vector_load %arg17[%swap3A_461] {strides = array<i32>} : memref<4096xf32, #tpu.memory_space<vmem>>, vector<16xf32>,
        %swap3A_463 = vector.shape_cast %swap3A_462 : vector<16xf32> to vector<16xf32>
        %swap3A_464 = vector.shape_cast %min3A_460 : vector<16xf32> to vector<16xf32>
        tpu.vector_store %arg17[%swap3A_461], %swap3A_464 {strides = array<i32>} : memref<4096xf32, #tpu.memory_space<vmem>>, vector<16xf32>,
        %slice3A_465 = vector.extract_strided_slice %get3A_74 {offsets = [12], sizes = [1], strides = [1]} : vector<16xf32> to vector<1xf32>
        %squeeze3A_466 = vector.extract %slice3A_465[0] : f32 from vector<1xf32>
        %add3A_467 = vector.broadcast %squeeze3A_466 : f32 to vector<16xf32>
        %add3A_468 = arith.addf %get3A_55, %add3A_467 : vector<16xf32>
        %slice3A_469 = vector.extract_strided_slice %get3A_77 {offsets = [12], sizes = [1], strides = [1]} : vector<16xf32> to vector<1xf32>
        %squeeze3A_470 = vector.extract %slice3A_469[0] : f32 from vector<1xf32>
        %mul3A_471 = vector.broadcast %squeeze3A_470 : f32 to vector<16xf32>
        %mul3A_472 = arith.mulf %mul3A_471, %get3A_46 : vector<16xf32>
        %slice3A_473 = vector.extract_strided_slice %get3A_80 {offsets = [12], sizes = [1], strides = [1]} : vector<16xf32> to vector<1xf32>
        %squeeze3A_474 = vector.extract %slice3A_473[0] : f32 from vector<1xf32>
        %mul3A_475 = vector.broadcast %squeeze3A_474 : f32 to vector<16xf32>
        %mul3A_476 = arith.mulf %mul3A_475, %get3A_49 : vector<16xf32>
        %add3A_477 = arith.addf %mul3A_472, %mul3A_476 : vector<16xf32>
        %slice3A_478 = vector.extract_strided_slice %get3A_83 {offsets = [12], sizes = [1], strides = [1]} : vector<16xf32> to vector<1xf32>
        %squeeze3A_479 = vector.extract %slice3A_478[0] : f32 from vector<1xf32>
        %mul3A_480 = vector.broadcast %squeeze3A_479 : f32 to vector<16xf32>
        %mul3A_481 = arith.mulf %mul3A_480, %get3A_52 : vector<16xf32>
        %add3A_482 = arith.addf %add3A_477, %mul3A_481 : vector<16xf32>
        %add3A_483 = arith.addf %add3A_468, %add3A_482 : vector<16xf32>
        %min3A_484 = arith.minimumf %min3A_452, %add3A_483 : vector<16xf32>
        %add3A_485 = arith.constant 12 : i32
        %add3A_486 = arith.addi %mul3A_71, %add3A_485 : i32
        %mul3A_487 = arith.constant 16 : i32
        %mul3A_488 = arith.muli %add3A_486, %mul3A_487 : i32
        %get3A_489 = arith.index_cast %mul3A_488 : i32 to index
        %get3A_490 = tpu.vector_load %arg17[%get3A_489] {strides = array<i32>} : memref<4096xf32, #tpu.memory_space<vmem>>, vector<16xf32>,
        %get3A_491 = vector.shape_cast %get3A_490 : vector<16xf32> to vector<16xf32>
        %min3A_492 = arith.minimumf %get3A_491, %add3A_483 : vector<16xf32>
        %swap3A_493 = arith.index_cast %mul3A_488 : i32 to index
        %swap3A_494 = tpu.vector_load %arg17[%swap3A_493] {strides = array<i32>} : memref<4096xf32, #tpu.memory_space<vmem>>, vector<16xf32>,
        %swap3A_495 = vector.shape_cast %swap3A_494 : vector<16xf32> to vector<16xf32>
        %swap3A_496 = vector.shape_cast %min3A_492 : vector<16xf32> to vector<16xf32>
        tpu.vector_store %arg17[%swap3A_493], %swap3A_496 {strides = array<i32>} : memref<4096xf32, #tpu.memory_space<vmem>>, vector<16xf32>,
        %slice3A_497 = vector.extract_strided_slice %get3A_74 {offsets = [13], sizes = [1], strides = [1]} : vector<16xf32> to vector<1xf32>
        %squeeze3A_498 = vector.extract %slice3A_497[0] : f32 from vector<1xf32>
        %add3A_499 = vector.broadcast %squeeze3A_498 : f32 to vector<16xf32>
        %add3A_500 = arith.addf %get3A_55, %add3A_499 : vector<16xf32>
        %slice3A_501 = vector.extract_strided_slice %get3A_77 {offsets = [13], sizes = [1], strides = [1]} : vector<16xf32> to vector<1xf32>
        %squeeze3A_502 = vector.extract %slice3A_501[0] : f32 from vector<1xf32>
        %mul3A_503 = vector.broadcast %squeeze3A_502 : f32 to vector<16xf32>
        %mul3A_504 = arith.mulf %mul3A_503, %get3A_46 : vector<16xf32>
        %slice3A_505 = vector.extract_strided_slice %get3A_80 {offsets = [13], sizes = [1], strides = [1]} : vector<16xf32> to vector<1xf32>
        %squeeze3A_506 = vector.extract %slice3A_505[0] : f32 from vector<1xf32>
        %mul3A_507 = vector.broadcast %squeeze3A_506 : f32 to vector<16xf32>
        %mul3A_508 = arith.mulf %mul3A_507, %get3A_49 : vector<16xf32>
        %add3A_509 = arith.addf %mul3A_504, %mul3A_508 : vector<16xf32>
        %slice3A_510 = vector.extract_strided_slice %get3A_83 {offsets = [13], sizes = [1], strides = [1]} : vector<16xf32> to vector<1xf32>
        %squeeze3A_511 = vector.extract %slice3A_510[0] : f32 from vector<1xf32>
        %mul3A_512 = vector.broadcast %squeeze3A_511 : f32 to vector<16xf32>
        %mul3A_513 = arith.mulf %mul3A_512, %get3A_52 : vector<16xf32>
        %add3A_514 = arith.addf %add3A_509, %mul3A_513 : vector<16xf32>
        %add3A_515 = arith.addf %add3A_500, %add3A_514 : vector<16xf32>
        %min3A_516 = arith.minimumf %min3A_484, %add3A_515 : vector<16xf32>
        %add3A_517 = arith.constant 13 : i32
        %add3A_518 = arith.addi %mul3A_71, %add3A_517 : i32
        %mul3A_519 = arith.constant 16 : i32
        %mul3A_520 = arith.muli %add3A_518, %mul3A_519 : i32
        %get3A_521 = arith.index_cast %mul3A_520 : i32 to index
        %get3A_522 = tpu.vector_load %arg17[%get3A_521] {strides = array<i32>} : memref<4096xf32, #tpu.memory_space<vmem>>, vector<16xf32>,
        %get3A_523 = vector.shape_cast %get3A_522 : vector<16xf32> to vector<16xf32>
        %min3A_524 = arith.minimumf %get3A_523, %add3A_515 : vector<16xf32>
        %swap3A_525 = arith.index_cast %mul3A_520 : i32 to index
        %swap3A_526 = tpu.vector_load %arg17[%swap3A_525] {strides = array<i32>} : memref<4096xf32, #tpu.memory_space<vmem>>, vector<16xf32>,
        %swap3A_527 = vector.shape_cast %swap3A_526 : vector<16xf32> to vector<16xf32>
        %swap3A_528 = vector.shape_cast %min3A_524 : vector<16xf32> to vector<16xf32>
        tpu.vector_store %arg17[%swap3A_525], %swap3A_528 {strides = array<i32>} : memref<4096xf32, #tpu.memory_space<vmem>>, vector<16xf32>,
        %slice3A_529 = vector.extract_strided_slice %get3A_74 {offsets = [14], sizes = [1], strides = [1]} : vector<16xf32> to vector<1xf32>
        %squeeze3A_530 = vector.extract %slice3A_529[0] : f32 from vector<1xf32>
        %add3A_531 = vector.broadcast %squeeze3A_530 : f32 to vector<16xf32>
        %add3A_532 = arith.addf %get3A_55, %add3A_531 : vector<16xf32>
        %slice3A_533 = vector.extract_strided_slice %get3A_77 {offsets = [14], sizes = [1], strides = [1]} : vector<16xf32> to vector<1xf32>
        %squeeze3A_534 = vector.extract %slice3A_533[0] : f32 from vector<1xf32>
        %mul3A_535 = vector.broadcast %squeeze3A_534 : f32 to vector<16xf32>
        %mul3A_536 = arith.mulf %mul3A_535, %get3A_46 : vector<16xf32>
        %slice3A_537 = vector.extract_strided_slice %get3A_80 {offsets = [14], sizes = [1], strides = [1]} : vector<16xf32> to vector<1xf32>
        %squeeze3A_538 = vector.extract %slice3A_537[0] : f32 from vector<1xf32>
        %mul3A_539 = vector.broadcast %squeeze3A_538 : f32 to vector<16xf32>
        %mul3A_540 = arith.mulf %mul3A_539, %get3A_49 : vector<16xf32>
        %add3A_541 = arith.addf %mul3A_536, %mul3A_540 : vector<16xf32>
        %slice3A_542 = vector.extract_strided_slice %get3A_83 {offsets = [14], sizes = [1], strides = [1]} : vector<16xf32> to vector<1xf32>
        %squeeze3A_543 = vector.extract %slice3A_542[0] : f32 from vector<1xf32>
        %mul3A_544 = vector.broadcast %squeeze3A_543 : f32 to vector<16xf32>
        %mul3A_545 = arith.mulf %mul3A_544, %get3A_52 : vector<16xf32>
        %add3A_546 = arith.addf %add3A_541, %mul3A_545 : vector<16xf32>
        %add3A_547 = arith.addf %add3A_532, %add3A_546 : vector<16xf32>
        %min3A_548 = arith.minimumf %min3A_516, %add3A_547 : vector<16xf32>
        %add3A_549 = arith.constant 14 : i32
        %add3A_550 = arith.addi %mul3A_71, %add3A_549 : i32
        %mul3A_551 = arith.constant 16 : i32
        %mul3A_552 = arith.muli %add3A_550, %mul3A_551 : i32
        %get3A_553 = arith.index_cast %mul3A_552 : i32 to index
        %get3A_554 = tpu.vector_load %arg17[%get3A_553] {strides = array<i32>} : memref<4096xf32, #tpu.memory_space<vmem>>, vector<16xf32>,
        %get3A_555 = vector.shape_cast %get3A_554 : vector<16xf32> to vector<16xf32>
        %min3A_556 = arith.minimumf %get3A_555, %add3A_547 : vector<16xf32>
        %swap3A_557 = arith.index_cast %mul3A_552 : i32 to index
        %swap3A_558 = tpu.vector_load %arg17[%swap3A_557] {strides = array<i32>} : memref<4096xf32, #tpu.memory_space<vmem>>, vector<16xf32>,
        %swap3A_559 = vector.shape_cast %swap3A_558 : vector<16xf32> to vector<16xf32>
        %swap3A_560 = vector.shape_cast %min3A_556 : vector<16xf32> to vector<16xf32>
        tpu.vector_store %arg17[%swap3A_557], %swap3A_560 {strides = array<i32>} : memref<4096xf32, #tpu.memory_space<vmem>>, vector<16xf32>,
        %slice3A_561 = vector.extract_strided_slice %get3A_74 {offsets = [15], sizes = [1], strides = [1]} : vector<16xf32> to vector<1xf32>
        %squeeze3A_562 = vector.extract %slice3A_561[0] : f32 from vector<1xf32>
        %add3A_563 = vector.broadcast %squeeze3A_562 : f32 to vector<16xf32>
        %add3A_564 = arith.addf %get3A_55, %add3A_563 : vector<16xf32>
        %slice3A_565 = vector.extract_strided_slice %get3A_77 {offsets = [15], sizes = [1], strides = [1]} : vector<16xf32> to vector<1xf32>
        %squeeze3A_566 = vector.extract %slice3A_565[0] : f32 from vector<1xf32>
        %mul3A_567 = vector.broadcast %squeeze3A_566 : f32 to vector<16xf32>
        %mul3A_568 = arith.mulf %mul3A_567, %get3A_46 : vector<16xf32>
        %slice3A_569 = vector.extract_strided_slice %get3A_80 {offsets = [15], sizes = [1], strides = [1]} : vector<16xf32> to vector<1xf32>
        %squeeze3A_570 = vector.extract %slice3A_569[0] : f32 from vector<1xf32>
        %mul3A_571 = vector.broadcast %squeeze3A_570 : f32 to vector<16xf32>
        %mul3A_572 = arith.mulf %mul3A_571, %get3A_49 : vector<16xf32>
        %add3A_573 = arith.addf %mul3A_568, %mul3A_572 : vector<16xf32>
        %slice3A_574 = vector.extract_strided_slice %get3A_83 {offsets = [15], sizes = [1], strides = [1]} : vector<16xf32> to vector<1xf32>
        %squeeze3A_575 = vector.extract %slice3A_574[0] : f32 from vector<1xf32>
        %mul3A_576 = vector.broadcast %squeeze3A_575 : f32 to vector<16xf32>
        %mul3A_577 = arith.mulf %mul3A_576, %get3A_52 : vector<16xf32>
        %add3A_578 = arith.addf %add3A_573, %mul3A_577 : vector<16xf32>
        %add3A_579 = arith.addf %add3A_564, %add3A_578 : vector<16xf32>
        %min3A_580 = arith.minimumf %min3A_548, %add3A_579 : vector<16xf32>
        %add3A_581 = arith.constant 15 : i32
        %add3A_582 = arith.addi %mul3A_71, %add3A_581 : i32
        %mul3A_583 = arith.constant 16 : i32
        %mul3A_584 = arith.muli %add3A_582, %mul3A_583 : i32
        %get3A_585 = arith.index_cast %mul3A_584 : i32 to index
        %get3A_586 = tpu.vector_load %arg17[%get3A_585] {strides = array<i32>} : memref<4096xf32, #tpu.memory_space<vmem>>, vector<16xf32>,
        %get3A_587 = vector.shape_cast %get3A_586 : vector<16xf32> to vector<16xf32>
        %min3A_588 = arith.minimumf %get3A_587, %add3A_579 : vector<16xf32>
        %swap3A_589 = arith.index_cast %mul3A_584 : i32 to index
        %swap3A_590 = tpu.vector_load %arg17[%swap3A_589] {strides = array<i32>} : memref<4096xf32, #tpu.memory_space<vmem>>, vector<16xf32>,
        %swap3A_591 = vector.shape_cast %swap3A_590 : vector<16xf32> to vector<16xf32>
        %swap3A_592 = vector.shape_cast %min3A_588 : vector<16xf32> to vector<16xf32>
        tpu.vector_store %arg17[%swap3A_589], %swap3A_592 {strides = array<i32>} : memref<4096xf32, #tpu.memory_space<vmem>>, vector<16xf32>,
        scf.yield %min3A_580 : vector<16xf32>
      }
      %scan3A_64 = arith.constant 16 : i32
      %swap3A = arith.index_cast %mul3A_44 : i32 to index
      %swap3A_65 = tpu.vector_load %arg16[%swap3A] {strides = array<i32>} : memref<512xf32, #tpu.memory_space<vmem>>, vector<16xf32>,
      %swap3A_66 = vector.shape_cast %swap3A_65 : vector<16xf32> to vector<16xf32>
      %swap3A_67 = vector.shape_cast %scan3A_63 : vector<16xf32> to vector<16xf32>
      tpu.vector_store %arg16[%swap3A], %swap3A_67 {strides = array<i32>} : memref<512xf32, #tpu.memory_space<vmem>>, vector<16xf32>,
    }
    %scan3A_35 = arith.constant 32 : i32
    %mul3A_36 = arith.constant 256 : i32
    %mul3A_37 = arith.muli %add3A, %mul3A_36 : i32
    %mul3A_38 = arith.constant 16 : i32
    %mul3A_39 = arith.muli %mul3A_37, %mul3A_38 : i32
    "tpu.region"() ({
      %run_scoped3A = tpu.sem_alloc : memref<!tpu.dma_semaphore, #tpu.memory_space<semaphore_mem>>
      %dma_start3A = tpu.memref_slice %arg6[%mul3A_39] : memref<131072xf32, #tpu.memory_space<hbm>> -> memref<4096xf32, #tpu.memory_space<hbm>>
      %dma_start3A_42 = tpu.memref_slice %arg6[%mul3A_39] : memref<131072xf32, #tpu.memory_space<hbm>> -> memref<4096xf32, #tpu.memory_space<hbm>>
      tpu.enqueue_dma source(%arg17 : memref<4096xf32, #tpu.memory_space<vmem>>) target(%dma_start3A_42 : memref<4096xf32, #tpu.memory_space<hbm>>) target_semaphore(%run_scoped3A : memref<!tpu.dma_semaphore, #tpu.memory_space<semaphore_mem>>)
      %dma_wait3A = tpu.memref_slice %arg6[%mul3A_39] : memref<131072xf32, #tpu.memory_space<hbm>> -> memref<4096xf32, #tpu.memory_space<hbm>>
      %dma_wait3A_43 = tpu.memref_slice %arg6[%mul3A_39] : memref<131072xf32, #tpu.memory_space<hbm>> -> memref<4096xf32, #tpu.memory_space<hbm>>
      tpu.wait_dma2 semaphore(%run_scoped3A : memref<!tpu.dma_semaphore, #tpu.memory_space<semaphore_mem>>) src(%arg17 : memref<4096xf32, #tpu.memory_space<vmem>>) dst(%dma_wait3A_43 : memref<4096xf32, #tpu.memory_space<hbm>>)
      tpu.yield
    }) : () -> ()
    %mul3A_40 = arith.constant 512 : i32
    %mul3A_41 = arith.muli %add3A, %mul3A_40 : i32
    "tpu.region"() ({
      %run_scoped3A = tpu.sem_alloc : memref<!tpu.dma_semaphore, #tpu.memory_space<semaphore_mem>>
      %dma_start3A = tpu.memref_slice %arg7[%mul3A_41] : memref<16384xf32, #tpu.memory_space<hbm>> -> memref<512xf32, #tpu.memory_space<hbm>>
      %dma_start3A_42 = tpu.memref_slice %arg7[%mul3A_41] : memref<16384xf32, #tpu.memory_space<hbm>> -> memref<512xf32, #tpu.memory_space<hbm>>
      tpu.enqueue_dma source(%arg16 : memref<512xf32, #tpu.memory_space<vmem>>) target(%dma_start3A_42 : memref<512xf32, #tpu.memory_space<hbm>>) target_semaphore(%run_scoped3A : memref<!tpu.dma_semaphore, #tpu.memory_space<semaphore_mem>>)
      %dma_wait3A = tpu.memref_slice %arg7[%mul3A_41] : memref<16384xf32, #tpu.memory_space<hbm>> -> memref<512xf32, #tpu.memory_space<hbm>>
      %dma_wait3A_43 = tpu.memref_slice %arg7[%mul3A_41] : memref<16384xf32, #tpu.memory_space<hbm>> -> memref<512xf32, #tpu.memory_space<hbm>>
      tpu.wait_dma2 semaphore(%run_scoped3A : memref<!tpu.dma_semaphore, #tpu.memory_space<semaphore_mem>>) src(%arg16 : memref<512xf32, #tpu.memory_space<vmem>>) dst(%dma_wait3A_43 : memref<512xf32, #tpu.memory_space<hbm>>)
      tpu.yield
    }) : () -> ()
    return
  }
}

module attributes {stable_mosaic.version = 14 : i64} {
  func.func @_tc_kernel(%arg0: i32, %arg1: memref<8192x3xf32, #tpu.memory_space<vmem>>, %arg2: memref<3x1280xf32, #tpu.memory_space<vmem>>, %arg3: memref<8192x1xf32, #tpu.memory_space<vmem>>, %arg4: memref<1x1xf32, #tpu.memory_space<vmem>>, %arg5: memref<8192x3xf32, #tpu.memory_space<vmem>>, %arg6: memref<8192x1xf32, #tpu.memory_space<vmem>>, %arg7: memref<1x1xf32, #tpu.memory_space<smem>>) attributes {dimension_semantics = [#tpu.dimension_semantics<arbitrary>], iteration_bounds = array<i64: 6>, scalar_prefetch = 0 : i64, scratch_operands = 3 : i64, tpu.core_type = #tpu.core_type<tc>, window_params = [{pipeline_mode = #tpu.pipeline_mode<synchronous>, transform_indices = @transform_0, window_bounds = array<i64: 8192, 3>}, {transform_indices = @transform_1, window_bounds = array<i64: 3, 1280>}, {pipeline_mode = #tpu.pipeline_mode<synchronous>, transform_indices = @transform_2, window_bounds = array<i64: 8192, 1>}, {pipeline_mode = #tpu.pipeline_mode<synchronous>, transform_indices = @transform_3, window_bounds = array<i64: 1, 1>}]} {
    %eq3A = arith.constant 0 : i32
    %eq3A_0 = arith.cmpi eq, %arg0, %eq3A : i32
    %convert_element_type3A = arith.extui %eq3A_0 : i1 to i32
    %cond3A = arith.constant 0 : i32
    %cond3A_1 = arith.cmpi ne, %convert_element_type3A, %cond3A : i32
    scf.if %cond3A_1 {
      %get3A_41 = arith.constant 0 : index
      %get3A_42 = arith.constant 0 : index
      %get3A_43 = vector.load %arg1[%get3A_41, %get3A_42] : memref<8192x3xf32, #tpu.memory_space<vmem>>, vector<8192x3xf32>
      %mul3A_44 = arith.constant -2.000000e+00 : f32
      %mul3A_45 = vector.broadcast %mul3A_44 : f32 to vector<8192x3xf32>
      %mul3A_46 = arith.mulf %get3A_43, %mul3A_45 : vector<8192x3xf32>
      %swap3A_47 = arith.constant 0 : index
      %swap3A_48 = arith.constant 0 : index
      %swap3A_49 = vector.load %arg5[%swap3A_47, %swap3A_48] : memref<8192x3xf32, #tpu.memory_space<vmem>>, vector<8192x3xf32>
      tpu.vector_store %arg5[%swap3A_47, %swap3A_48], %mul3A_46 {strides = array<i32>} : memref<8192x3xf32, #tpu.memory_space<vmem>>, vector<8192x3xf32>,
      %mul3A_50 = arith.mulf %get3A_43, %get3A_43 : vector<8192x3xf32>
      %reduce_sum3A_51 = arith.constant dense<0.000000e+00> : vector<8192xf32>
      %reduce_sum3A_52 = vector.multi_reduction <add>, %mul3A_50, %reduce_sum3A_51 [1] : vector<8192x3xf32> to vector<8192xf32>
      %broadcast_in_dim3A_53 = vector.shape_cast %reduce_sum3A_52 : vector<8192xf32> to vector<8192x1xf32>
      %swap3A_54 = arith.constant 0 : index
      %swap3A_55 = arith.constant 0 : index
      %swap3A_56 = vector.load %arg6[%swap3A_54, %swap3A_55] : memref<8192x1xf32, #tpu.memory_space<vmem>>, vector<8192x1xf32>
      tpu.vector_store %arg6[%swap3A_54, %swap3A_55], %broadcast_in_dim3A_53 {strides = array<i32>} : memref<8192x1xf32, #tpu.memory_space<vmem>>, vector<8192x1xf32>,
      %broadcast_in_dim3A_57 = arith.constant 0x7F800000 : f32
      %broadcast_in_dim3A_58 = vector.broadcast %broadcast_in_dim3A_57 : f32 to vector<8192x1xf32>
      %swap3A_59 = arith.constant 0 : index
      %swap3A_60 = arith.constant 0 : index
      %swap3A_61 = vector.load %arg3[%swap3A_59, %swap3A_60] : memref<8192x1xf32, #tpu.memory_space<vmem>>, vector<8192x1xf32>
      tpu.vector_store %arg3[%swap3A_59, %swap3A_60], %broadcast_in_dim3A_58 {strides = array<i32>} : memref<8192x1xf32, #tpu.memory_space<vmem>>, vector<8192x1xf32>,
      %swap3A_62 = arith.constant 0.000000e+00 : f32
      %swap3A_63 = arith.constant 0 : index
      %swap3A_64 = arith.constant 0 : index
      %swap3A_65 = memref.load %arg7[%swap3A_63, %swap3A_64] : memref<1x1xf32, #tpu.memory_space<smem>>
      memref.store %swap3A_62, %arg7[%swap3A_63, %swap3A_64] : memref<1x1xf32, #tpu.memory_space<smem>>
    } else {
    }
    %get3A = arith.constant 0 : index
    %get3A_2 = arith.constant 0 : index
    %get3A_3 = vector.load %arg2[%get3A, %get3A_2] : memref<3x1280xf32, #tpu.memory_space<vmem>>, vector<3x1280xf32>
    %mul3A = arith.mulf %get3A_3, %get3A_3 : vector<3x1280xf32>
    %reduce_sum3A = arith.constant dense<0.000000e+00> : vector<1280xf32>
    %reduce_sum3A_4 = vector.multi_reduction <add>, %mul3A, %reduce_sum3A [0] : vector<3x1280xf32> to vector<1280xf32>
    %broadcast_in_dim3A = vector.shape_cast %reduce_sum3A_4 : vector<1280xf32> to vector<1x1280xf32>
    %get3A_5 = arith.constant 0 : index
    %get3A_6 = arith.constant 0 : index
    %get3A_7 = vector.load %arg6[%get3A_5, %get3A_6] : memref<8192x1xf32, #tpu.memory_space<vmem>>, vector<8192x1xf32>
    %add3A = vector.broadcast %get3A_7 : vector<8192x1xf32> to vector<8192x1280xf32>
    %add3A_8 = vector.broadcast %broadcast_in_dim3A : vector<1x1280xf32> to vector<8192x1280xf32>
    %add3A_9 = arith.addf %add3A, %add3A_8 : vector<8192x1280xf32>
    %get3A_10 = arith.constant 0 : index
    %get3A_11 = arith.constant 0 : index
    %get3A_12 = vector.load %arg5[%get3A_10, %get3A_11] : memref<8192x3xf32, #tpu.memory_space<vmem>>, vector<8192x3xf32>
    %dot_general3A = arith.constant dense<0.000000e+00> : vector<8192x1280xf32>
    %dot_general3A_13 = tpu.matmul %get3A_12, %get3A_3, %dot_general3A {dimension_numbers = #tpu.dot_dimension_numbers<[1], [0], [0], [1], [0, 0, 1, 1], [], []>, transpose_lhs_hint = false} : vector<8192x3xf32>, vector<3x1280xf32>, vector<8192x1280xf32> -> vector<8192x1280xf32>
    %add3A_14 = arith.addf %add3A_9, %dot_general3A_13 : vector<8192x1280xf32>
    %get3A_15 = arith.constant 0 : index
    %get3A_16 = arith.constant 0 : index
    %get3A_17 = vector.load %arg3[%get3A_15, %get3A_16] : memref<8192x1xf32, #tpu.memory_space<vmem>>, vector<8192x1xf32>
    %reduce_min3A = arith.constant dense<0x7F800000> : vector<8192xf32>
    %reduce_min3A_18 = vector.multi_reduction <minimumf>, %add3A_14, %reduce_min3A [1] : vector<8192x1280xf32> to vector<8192xf32>
    %broadcast_in_dim3A_19 = vector.shape_cast %reduce_min3A_18 : vector<8192xf32> to vector<8192x1xf32>
    %min3A = arith.minimumf %get3A_17, %broadcast_in_dim3A_19 : vector<8192x1xf32>
    %swap3A = arith.constant 0 : index
    %swap3A_20 = arith.constant 0 : index
    %swap3A_21 = vector.load %arg3[%swap3A, %swap3A_20] : memref<8192x1xf32, #tpu.memory_space<vmem>>, vector<8192x1xf32>
    tpu.vector_store %arg3[%swap3A, %swap3A_20], %min3A {strides = array<i32>} : memref<8192x1xf32, #tpu.memory_space<vmem>>, vector<8192x1xf32>,
    %get3A_22 = arith.constant 0 : index
    %get3A_23 = arith.constant 0 : index
    %get3A_24 = memref.load %arg7[%get3A_22, %get3A_23] : memref<1x1xf32, #tpu.memory_space<smem>>
    %reduce_min3A_25 = arith.constant dense<0x7F800000> : vector<1280xf32>
    %reduce_min3A_26 = vector.multi_reduction <minimumf>, %add3A_14, %reduce_min3A_25 [0] : vector<8192x1280xf32> to vector<1280xf32>
    %reduce_sum3A_27 = vector.shape_cast %reduce_min3A_26 : vector<1280xf32> to vector<1x1280xf32>
    %reduce_sum3A_28 = arith.constant dense<0.000000e+00> : vector<1xf32>
    %reduce_sum3A_29 = vector.multi_reduction <add>, %reduce_sum3A_27, %reduce_sum3A_28 [1] : vector<1x1280xf32> to vector<1xf32>
    %reduce_sum3A_30 = vector.shape_cast %reduce_sum3A_29 : vector<1xf32> to vector<1x1xf32>
    %reduce_sum3A_31 = vector.extract %reduce_sum3A_30[0, 0] : f32 from vector<1x1xf32>
    %add3A_32 = arith.addf %get3A_24, %reduce_sum3A_31 : f32
    %swap3A_33 = arith.constant 0 : index
    %swap3A_34 = arith.constant 0 : index
    %swap3A_35 = memref.load %arg7[%swap3A_33, %swap3A_34] : memref<1x1xf32, #tpu.memory_space<smem>>
    memref.store %add3A_32, %arg7[%swap3A_33, %swap3A_34] : memref<1x1xf32, #tpu.memory_space<smem>>
    %eq3A_36 = arith.constant 5 : i32
    %eq3A_37 = arith.cmpi eq, %arg0, %eq3A_36 : i32
    %convert_element_type3A_38 = arith.extui %eq3A_37 : i1 to i32
    %cond3A_39 = arith.constant 0 : i32
    %cond3A_40 = arith.cmpi ne, %convert_element_type3A_38, %cond3A_39 : i32
    scf.if %cond3A_40 {
      %get3A_41 = arith.constant 0 : index
      %get3A_42 = arith.constant 0 : index
      %get3A_43 = memref.load %arg7[%get3A_41, %get3A_42] : memref<1x1xf32, #tpu.memory_space<smem>>
      %broadcast_in_dim3A_44 = vector.broadcast %get3A_43 : f32 to vector<1x1xf32>
      %swap3A_45 = arith.constant 0 : index
      %swap3A_46 = arith.constant 0 : index
      %swap3A_47 = vector.load %arg4[%swap3A_45, %swap3A_46] : memref<1x1xf32, #tpu.memory_space<vmem>>, vector<1x1xf32>
      tpu.vector_store %arg4[%swap3A_45, %swap3A_46], %broadcast_in_dim3A_44 {strides = array<i32>} : memref<1x1xf32, #tpu.memory_space<vmem>>, vector<1x1xf32>,
    } else {
    }
    return
  }
  func.func @transform_0(%arg0: i32) -> (i32, i32) {
    %c0_i32 = arith.constant 0 : i32
    %c0_i32_0 = arith.constant 0 : i32
    %c0_i32_1 = arith.constant 0 : i32
    return %c0_i32, %c0_i32_0 : i32, i32
  }
  func.func @transform_1(%arg0: i32) -> (i32, i32) {
    %c0_i32 = arith.constant 0 : i32
    %c0_i32_0 = arith.constant 0 : i32
    return %c0_i32, %arg0 : i32, i32
  }
  func.func @transform_2(%arg0: i32) -> (i32, i32) {
    %c0_i32 = arith.constant 0 : i32
    %c0_i32_0 = arith.constant 0 : i32
    %c0_i32_1 = arith.constant 0 : i32
    return %c0_i32, %c0_i32_0 : i32, i32
  }
  func.func @transform_3(%arg0: i32) -> (i32, i32) {
    %c0_i32 = arith.constant 0 : i32
    %c0_i32_0 = arith.constant 0 : i32
    %c0_i32_1 = arith.constant 0 : i32
    return %c0_i32, %c0_i32_0 : i32, i32
  }
}

module attributes {stable_mosaic.version = 14 : i64} {
  func.func @_combine_kernel(%arg0: memref<8192x1xf32, #tpu.memory_space<vmem>>, %arg1: memref<1x1xf32, #tpu.memory_space<vmem>>, %arg2: memref<8192x16xf32, #tpu.memory_space<vmem>>, %arg3: memref<32x512xf32, #tpu.memory_space<vmem>>, %arg4: memref<1x1xf32, #tpu.memory_space<vmem>>) attributes {dimension_semantics = [], scalar_prefetch = 0 : i64, scratch_operands = 0 : i64, tpu.core_type = #tpu.core_type<tc>} {
    %get3A = arith.constant 0 : index
    %get3A_0 = arith.constant 0 : index
    %get3A_1 = vector.load %arg2[%get3A, %get3A_0] : memref<8192x16xf32, #tpu.memory_space<vmem>>, vector<8192x16xf32>
    %reduce_min3A = arith.constant dense<0x7F800000> : vector<8192xf32>
    %reduce_min3A_2 = vector.multi_reduction <minimumf>, %get3A_1, %reduce_min3A [1] : vector<8192x16xf32> to vector<8192xf32>
    %broadcast_in_dim3A = vector.shape_cast %reduce_min3A_2 : vector<8192xf32> to vector<8192x1xf32>
    %get3A_3 = arith.constant 0 : index
    %get3A_4 = arith.constant 0 : index
    %get3A_5 = vector.load %arg0[%get3A_3, %get3A_4] : memref<8192x1xf32, #tpu.memory_space<vmem>>, vector<8192x1xf32>
    %min3A = arith.minimumf %get3A_5, %broadcast_in_dim3A : vector<8192x1xf32>
    %get3A_6 = arith.constant 0 : index
    %get3A_7 = arith.constant 0 : index
    %get3A_8 = vector.load %arg3[%get3A_6, %get3A_7] : memref<32x512xf32, #tpu.memory_space<vmem>>, vector<32x512xf32>
    %reduce_min3A_9 = arith.constant dense<0x7F800000> : vector<512xf32>
    %reduce_min3A_10 = vector.multi_reduction <minimumf>, %get3A_8, %reduce_min3A_9 [0] : vector<32x512xf32> to vector<512xf32>
    %reduce_sum3A = vector.shape_cast %min3A : vector<8192x1xf32> to vector<1x8192x1xf32>
    %reduce_sum3A_11 = arith.constant dense<0.000000e+00> : vector<1xf32>
    %reduce_sum3A_12 = vector.multi_reduction <add>, %reduce_sum3A, %reduce_sum3A_11 [1, 2] : vector<1x8192x1xf32> to vector<1xf32>
    %reduce_sum3A_13 = vector.shape_cast %reduce_sum3A_12 : vector<1xf32> to vector<1x1x1xf32>
    %reduce_sum3A_14 = vector.extract %reduce_sum3A_13[0, 0, 0] : f32 from vector<1x1x1xf32>
    %div3A = arith.constant 8.192000e+03 : f32
    %div3A_15 = arith.divf %reduce_sum3A_14, %div3A : f32
    %get3A_16 = arith.constant 0 : index
    %get3A_17 = arith.constant 0 : index
    %get3A_18 = vector.load %arg1[%get3A_16, %get3A_17] : memref<1x1xf32, #tpu.memory_space<vmem>>, vector<1x1xf32>
    %get3A_19 = vector.extract %get3A_18[0, 0] : f32 from vector<1x1xf32>
    %reduce_sum3A_20 = vector.shape_cast %reduce_min3A_10 : vector<512xf32> to vector<1x512xf32>
    %reduce_sum3A_21 = arith.constant dense<0.000000e+00> : vector<1xf32>
    %reduce_sum3A_22 = vector.multi_reduction <add>, %reduce_sum3A_20, %reduce_sum3A_21 [1] : vector<1x512xf32> to vector<1xf32>
    %reduce_sum3A_23 = vector.shape_cast %reduce_sum3A_22 : vector<1xf32> to vector<1x1xf32>
    %reduce_sum3A_24 = vector.extract %reduce_sum3A_23[0, 0] : f32 from vector<1x1xf32>
    %add3A = arith.addf %get3A_19, %reduce_sum3A_24 : f32
    %div3A_25 = arith.constant 8.192000e+03 : f32
    %div3A_26 = arith.divf %add3A, %div3A_25 : f32
    %add3A_27 = arith.addf %div3A_15, %div3A_26 : f32
    %mul3A = arith.constant 5.000000e-01 : f32
    %mul3A_28 = arith.mulf %add3A_27, %mul3A : f32
    %broadcast_in_dim3A_29 = vector.broadcast %mul3A_28 : f32 to vector<1x1xf32>
    %swap3A = arith.constant 0 : index
    %swap3A_30 = arith.constant 0 : index
    %swap3A_31 = vector.load %arg4[%swap3A, %swap3A_30] : memref<1x1xf32, #tpu.memory_space<vmem>>, vector<1x1xf32>
    tpu.vector_store %arg4[%swap3A, %swap3A_30], %broadcast_in_dim3A_29 {strides = array<i32>} : memref<1x1xf32, #tpu.memory_space<vmem>>, vector<1x1xf32>,
    return
  }
}

</mosaic_0001>

<sc_bundles>
// kernel: kernel.5.cloned.1.call-start
scs
__scs_entry_jumppad:
0x0: {  	(pc) =	sbr.rel $0x88, $3  }
0x1: {  	(tag) =	ssettag $0x0;
	lr =	simm.s32 $0x1  }
0x2: {  	[smem:$0x3F9F] =	sst lr;
	_ =	strace $0xD0000000  }
0x3: {  	_ = 	snop  }
0x4: {  	_ = 	snop  }
0x5: {  	_ = 	snop  }
0x6: {  	_ = 	snop  }
0x7: {  	_ = 	snop  }
__scs_overlays_trampoline_lowered:
0x8: {  	[smem:$0x3FAE] =	sst s0  }
0x9: {  	[smem:$0x3FAF] =	sst s1  }
0xa: {  	[smem:$0x3FB0] =	sst s2  }
0xb: {  	[smem:$0x3FB1] =	sst s3  }
0xc: {  	[smem:$0x3FB2] =	sst s4  }
0xd: {  	[smem:$0x3FB3] =	sst s5  }
0xe: {  	[smem:$0x3FB4] =	sst s6  }
0xf: {  	[smem:$0x3FB5] =	sst s7  }
0x10: {  	[smem:$0x3FB6] =	sst s8  }
0x11: {  	[smem:$0x3FB7] =	sst s9;
	s0 =	simm.s32 @!p0 $0x0  }
0x12: {  	s1 =	sld [smem:$0x3F9D];
	s0 =	simm.s32 @p0 $0x1  }
0x13: {  	[smem:$0x3FB8] =	sst s0;
	s0 =	simm.s32 @!p1 $0x0  }
0x14: {  	s2 =	sld [smem:$0x3F9C];
	s0 =	simm.s32 @p1 $0x1  }
0x15: {  	[smem:$0x3FB9] =	sst s0;
	s0 =	simm.s32 @!p2 $0x0  }
0x16: {  	s3 =	sld [smem:$0x3FDB];
	s0 =	simm.s32 @p2 $0x1  }
0x17: {  	s4 =	simm.s32 $0x1BF5;
	[smem:$0x3FBB] =	sst s0  }
0x18: {  	s0 =	sld [smem:$0x3F9E];
	_ =	swait.ge [sflag:s4], $0x0  }
0x19: {  	s7 =	sld [smem:$0x3F9F]  }
0x1a: {  	s8 =	sadd.s32 $0xFFFFE003, lr  }
0x1b: {  	s9 =	sadd.s32 $0xFFFFFEF7, lr;
	s5 =	simm.s32 $0xFFFFFFFF;
	p2 =	slt.u32 s8, $0xFFFFF086  }
0x1c: {  	p1 =	slt.u32 s9, $0xF7A;
	s5 =	simm.s32 @!p2 $0x0  }
0x1d: {  	s5 =	simm.s32 @p1 $0x1;
	p0 =	seq.s32 s7, s2  }
0x1e: {  	s7 =	smul.u32 @!p0 $0xF7A, s2;
	p2 =	seq.s32 @!p0 s5, $0x0  }
0x1f: {  	s9 =	smul.u32 $0xF7A, s1;
	s8 =	simm.s32 @!p0 $0x1BF5;
	p2 =	por !p2, p0  }
0x20: {  	[sflag:s8] =	ssyncset.s32 @!p0 $0xFFFFF086;
	s6 =	sadd.s32 @!p0 s3, s7;
	s7 =	simm.s32 @!p0 $0x108  }
0x21: {  	s3 =	sadd.s32 s3, s9;
	s6 =	sadd.s32 @!p0 $0x88, s6;
	s7 =	simm.s32 @p2 $0x1082  }
0x22: {  	[simem:s7], [sflag:s8] =	dma.local @!p0 [hbm:s6], $0xF7A  }
0x23: {  	s9 =	sor.u32 $0xD0000000, s2;
	s6 =	simm.s32 $0x108;
	_ =	swait.ge @!p0 [sflag:s8], $0x0  }
0x24: {  	s3 =	sadd.s32 $0x88, s3;
	s6 =	simm.s32 @!p1 $0x1082;
	[sflag:s4] =	ssyncset.s32 $0xFFFFF086  }
0x25: {  	[simem:s6], [sflag:s4] =	dma.local [hbm:s3], $0xF7A  }
0x26: {  	[smem:$0x3F9F] =	sst s1;
	(tag) =	ssettag s2;
	_ =	strace s9  }
0x27: {  	s1 =	sld [smem:$0x3FAF]  }
0x28: {  	s2 =	sld [smem:$0x3FB0]  }
0x29: {  	s4 =	sld [smem:$0x3FB2]  }
0x2a: {  	p0 =	seq.s32 s5, $0x0;
	s5 =	sld [smem:$0x3FB3]  }
0x2b: {  	s6 =	sld [smem:$0x3FB4]  }
0x2c: {  	s7 =	sld [smem:$0x3FB5]  }
0x2d: {  	s3 =	simm.s32 $0x108;
	s8 =	sld [smem:$0x3FB6]  }
0x2e: {  	s3 =	simm.s32 @!p0 $0x1082;
	s9 =	sld [smem:$0x3FB7]  }
0x2f: {  	lr =	sadd.s32 s0, s3;
	s0 =	sld [smem:$0x3FAE]  }
0x30: {  	s3 =	sld [smem:$0x3FB1]  }
0x31: {  	[smem:$0x3FBA] =	sst s10  }
0x32: {  	s10 =	sld [smem:$0x3FB8];
	_ =	sdelay $0x3  }
0x33: {  	p0 =	seq.s32 s10, $0x1;
	s10 =	sld [smem:$0x3FBA];
	_ =	sdelay $0x3  }
0x34: {  	[smem:$0x3FBA] =	sst s10  }
0x35: {  	s10 =	sld [smem:$0x3FB9];
	_ =	sdelay $0x3  }
0x36: {  	p1 =	seq.s32 s10, $0x1;
	s10 =	sld [smem:$0x3FBA];
	_ =	sdelay $0x3  }
0x37: {  	[smem:$0x3FBA] =	sst s10  }
0x38: {  	s10 =	sld [smem:$0x3FBB]  }
0x39: {  	_ = 	snop;
	(pc) =	sbr.ind lr, $3  }
0x3a: {  	_ = 	snop  }
0x3b: {  	_ = 	snop  }
0x3c: {  	p2 =	seq.s32 s10, $0x1;
	s10 =	sld [smem:$0x3FBA]  }
0x3d: {  	_ =	shalt  }
0x3e: {  	_ =	shalt  }
0x3f: {  	_ =	shalt  }
0x40: {  	_ =	shalt  }
0x41: {  	_ =	shalt  }
0x42: {  	_ =	shalt  }
0x43: {  	_ =	shalt  }
0x44: {  	_ =	shalt  }
0x45: {  	_ =	shalt  }
0x46: {  	_ =	shalt  }
0x47: {  	_ =	shalt  }
0x48: {  	_ =	shalt  }
0x49: {  	_ =	shalt  }
0x4a: {  	_ =	shalt  }
0x4b: {  	_ =	shalt  }
0x4c: {  	_ =	shalt  }
0x4d: {  	_ =	shalt  }
0x4e: {  	_ =	shalt  }
0x4f: {  	_ =	shalt  }
0x50: {  	_ =	shalt  }
0x51: {  	_ =	shalt  }
0x52: {  	_ =	shalt  }
0x53: {  	_ =	shalt  }
0x54: {  	_ =	shalt  }
0x55: {  	_ =	shalt  }
0x56: {  	_ =	shalt  }
0x57: {  	_ =	shalt  }
0x58: {  	_ =	shalt  }
0x59: {  	_ =	shalt  }
0x5a: {  	_ =	shalt  }
0x5b: {  	_ =	shalt  }
0x5c: {  	_ =	shalt  }
0x5d: {  	_ =	shalt  }
0x5e: {  	_ =	shalt  }
0x5f: {  	_ =	shalt  }
0x60: {  	_ =	shalt  }
0x61: {  	_ =	shalt  }
0x62: {  	_ =	shalt  }
0x63: {  	_ =	shalt  }
0x64: {  	_ =	shalt  }
0x65: {  	_ =	shalt  }
0x66: {  	_ =	shalt  }
0x67: {  	_ =	shalt  }
0x68: {  	_ =	shalt  }
0x69: {  	_ =	shalt  }
0x6a: {  	_ =	shalt  }
0x6b: {  	_ =	shalt  }
0x6c: {  	_ =	shalt  }
0x6d: {  	_ =	shalt  }
0x6e: {  	_ =	shalt  }
0x6f: {  	_ =	shalt  }
0x70: {  	_ =	shalt  }
0x71: {  	_ =	shalt  }
0x72: {  	_ =	shalt  }
0x73: {  	_ =	shalt  }
0x74: {  	_ =	shalt  }
0x75: {  	_ =	shalt  }
0x76: {  	_ =	shalt  }
0x77: {  	_ =	shalt  }
0x78: {  	_ =	shalt  }
0x79: {  	_ =	shalt  }
0x7a: {  	_ =	shalt  }
0x7b: {  	_ =	shalt  }
0x7c: {  	_ =	shalt  }
0x7d: {  	_ =	shalt  }
0x7e: {  	_ =	shalt  }
0x7f: {  	_ =	shalt  }
0x80: {  	_ =	shalt  }
0x81: {  	_ =	shalt  }
0x82: {  	_ =	shalt  }
0x83: {  	_ =	shalt  }
0x84: {  	_ =	shalt  }
0x85: {  	_ =	shalt  }
0x86: {  	_ =	shalt  }
0x87: {  	_ =	shalt  }
.Lfunc_end0:
.L_simem_size_0:
called_computation_lowered:
.L_overlay_start_0:
0x88: {  	s2 =	sld [smem:$0x3FD9]  }
0x89: {  	s3 =	sld [smem:$0x3FFE];
	_ =	sdelay $0x1  }
0x8a: {  	s1 =	srdreg.scid  }
0x8b: {  	s0 =	sand.u32 $0x1, s1  }
0x8c: {  	s16 =	sshll.u32 s0, $0xA;
	s2 =	sadd.s32 s3, s2  }
0x8d: {  	s2 =	sadd.s32 s2, s16  }
0x8e: {  	[smem:$0x3FC6] =	sst s2  }
0x8f: {  	_ = 	snop  }
0x90: {  	(tm) =	ssettm $0x1  }
0x91: {  	s17 =	sld [smem:$0x3FFB];
	_ =	sdelay $0x3  }
0x92: {  	_ =	strace s17  }
0x93: {  	s2 =	sld [smem:$0x3FFC];
	_ =	sdelay $0x3  }
0x94: {  	_ =	strace s2  }
0x95: {  	s2 =	sld [smem:$0x3FFD];
	_ =	sdelay $0x3  }
0x96: {  	_ =	strace s2  }
0x97: {  	_ =	strace $0x8FFFFFFF  }
0x98: {  	s18 =	sld [smem:$0x3FDB];
	_ =	sdelay $0x1  }
0x99: {  	s19 =	simm.s32 $_scs_section_size  }
0x9a: {  	s4 =	simm.s32 $_size__tile_overlayer_lowered;
	s5 =	simm.s32 $_tile_overlayer_lowered  }
0x9b: {  	s22 =	simm.s32 $0x1BFF;
	s21 =	sshll.u32 s5, $0x1;
	s2 =	sadd.s32 s19, s18  }
0x9c: {  	s6 =	simm.s32 $0x0;
	s20 =	sshll.u32 s4, $0x1;
	s4 =	sadd.s32 s21, s2  }
0x9d: {  	[timem:s6], [sflag:s22] =	dma.local [hbm:s4], s20  }
0x9e: {  	_ =	swait.ge [sflag:s22], s20  }
0x9f: {  	s3 =	ssub.s32 $0x0, s20;
	[sflag:s22] =	ssyncset.done $0x0  }
0xa0: {  	[sflag:s22] =	ssyncadd.s32 s3;
	_ =	sdelay $0x1  }
0xa1: {  	s23 =	simm.s32 $0x1B8B  }
0xa2: {  	_ =	swait.ge [sflag:s23], $0x1  }
0xa3: {  	[sflag:s23] =	ssyncset.done $0x0  }
0xa4: {  	s25 =	simm.s32 $0x1B8E;
	s24 =	sld [smem:$0x3FFE];
	[sflag:s23] =	ssyncadd.s32 $0xFFFFFFFF  }
0xa5: {  	s26 =	simm.s32 $execute0_lowered;
	[smem:$0x3FD2] =	sst s25  }
0xa6: {  	s4 =	sshll.u32 s26, $0x1;
	_ =	strace $0x80000046;
	[dreg:$0x1] =	wrdreg $0xFFFFFFFF  }
0xa7: {  	s28 =	simm.s32 $_size_execute0_lowered;
	s2 =	sadd.s32 s2, s4;
	[dreg:$0x0] =	wrdreg $0x0  }
0xa8: {  	s4 =	sshll.u32 s28, $0x1;
	[dreg:$0x2] =	wrdreg s2  }
0xa9: {  	[dreg:$0x3] =	wrdreg s4  }
0xaa: {  	[dreg:$0x4] =	wrdreg $0xC0  }
0xab: {  	_ =	task [dreg:s6], $0x5FFFF  }
0xac: {  	[dreg:$0x1] =	wrdreg $0xFFFFFFFF  }
0xad: {  	[dreg:$0x0] =	wrdreg $0x60  }
0xae: {  	[dreg:$0x2] =	wrdreg s24  }
0xaf: {  	[dreg:$0x3] =	wrdreg $0x9  }
0xb0: {  	_ =	task.clear_ibuf [dreg:s6], $0x4FFFF;
	_ =	strace $0x90000046  }
0xb1: {  	s29 =	simm.s32 $0x9;
	_ =	strace $0x80000048  }
0xb2: {  	_ =	swait.ge [sflag:s29], $0x1  }
0xb3: {  	[sflag:s29] =	ssyncadd.s32 $0xFFFFFFFF  }
0xb4: {  	_ =	strace $0x90000048  }
0xb5: {  	_ =	sfence  }
0xb6: {  	s30 =	sld [smem:$0x0];
	_ =	sdelay $0x2  }
0xb7: {  	s31 =	sshll.u32 s1, $0xD;
	s1 =	sshrl.u32 s1, $0x2  }
0xb8: {  	s3 =	sand.u32 $0x4000, s31;
	s1 =	sadd.s32 s1, s30  }
0xb9: {  	s0 =	sor.u32 s3, s0;
	s1 =	sshll.u32 s1, $0x11  }
0xba: {  	s0 =	sor.u32 s1, s0  }
0xbb: {  	s0 =	sadd.s32 $0x8F2B, s0  }
0xbc: {  	[sflag:s0] =	ssyncadd.remote.s32 $0x1  }
0xbd: {  	_ =	sfence.sel $0xFFFF  }
0xbe: {  	[dreg:$0x0] =	wrdreg $0xFFFFFFFF;
	(pc) =	sbr.abs _section_cstart, $3  }
0xbf: {  	[dreg:$0x1] =	wrdreg $0xFFFFFFFF  }
0xc0: {  	_ =	task.clear_ibuf [dreg:s6], $0x2FFFF;
	_ =	strace $0x9FFFFFFF  }
0xc1: {  	(tm) =	ssettm $0x7FFFFFFF  }
tec
execute0_lowered:
.L_overlay_start_1:
0x0: {  	(tag) =	ssettag $0x1  }
0x1: {  	s14 =	rddreg [dreg:$0x0]  }
0x2: {  	s1 =	simm.s32 $0x0;
	s3 =	srdreg.scid;
	s2 =	stileid.u32  }
0x3: {  	s18 =	simm.s32 $0x1;
	s19 =	simm.s32 $0x100;
	s20 =	simm.s32 $0x200  }
0x4: {  	s21 =	simm.s32 $0x400;
	s22 =	simm.s32 $0x600;
	s23 =	simm.s32 $0x800  }
0x5: {  	s24 =	simm.s32 $0xE00;
	s25 =	simm.s32 $0xC00;
	s26 =	simm.s32 $0x0  }
0x6: {  	[smem:$0x7FF] =	sst s1;
	s7 =	sadd.s32 $0x1000, s14;
	s12 =	sadd.s32 $0x1C00, s14  }
0x7: {  	s5 =	sand.u32 $0x1, s3;
	s6 =	sshll.u32 s2, $0x1;
	s3 =	sadd.s32 $0x2800, s14  }
0x8: {  	s4 =	sadd.s32 $0x2A00, s14;
	_ =	strace $0x80000047;
	s6 =	sor.u32 s5, s6  }
0x9: {  	s5 =	ssub.s32 $0x2, s5;
	s8 =	sshll.u32 s6, $0x9;
	s9 =	smul.u32 $0x300, s6  }
0xa: {  	s6 =	sshll.u32 s6, $0x6;
	s31 =	sshrl.u32 s5, $0x1;
	s15 =	sadd.s32 s8, s14  }
0xb: {  	s16 =	sadd.s32 s6, s14;
	s17 =	ssub.s32 s5, s31;
	s8 =	sadd.s32 $0x2840, s14  }
0xc: {  	s10 =	sshrl.u32 s9, $0x3;
	s9 =	sadd.s32 $0x2880, s14;
	s15 =	sadd.s32 $0x2C00, s15  }
0xd: {  	s16 =	sadd.s32 $0x6C00, s16;
	s17 =	smax.u32 s17, $0x1;
	s5 =	sadd.s32 s7, s10  }
0xe: {  	s11 =	sadd.s32 $0x20, s10;
	s13 =	sadd.s32 $0x40, s10;
	s10 =	sadd.s32 s12, s10  }
0xf: {  	s6 =	sadd.s32 s7, s11;
	s7 =	sadd.s32 s7, s13;
	s11 =	sadd.s32 s12, s11  }
0x10: {  	v0 =	vimm.f32 $+Inf;
	s12 =	sadd.s32 s12, s13;
	s13 =	sadd.s32 $0x2A40, s14;
	s14 =	sadd.s32 $0x2A80, s14  }
.LBB2_1:
0x11: {  	[tilespmem:s1], [sflag:$0x1] =	stream.linear.gather [hbm4b:s5+s1], $0x100, $0x38;
	[tilespmem:$0x1E00] =	vst v63  }
0x12: {  	_ =	swait.ge [sflag:s18], $0x100  }
0x13: {  	[sflag:s18] =	ssyncset.done $0x0  }
0x14: {  	[sflag:s18] =	ssyncadd.s32 $0xFFFFFF00  }
0x15: {  	[tilespmem:s19], [sflag:$0x1] =	stream.linear.gather [hbm4b:s6+s1], $0x100, $0x38;
	[tilespmem:$0x1E00] =	vst v63  }
0x16: {  	_ =	swait.ge [sflag:s18], $0x100  }
0x17: {  	[sflag:s18] =	ssyncset.done $0x0  }
0x18: {  	[sflag:s18] =	ssyncadd.s32 $0xFFFFFF00  }
0x19: {  	[tilespmem:s20], [sflag:$0x1] =	stream.linear.gather [hbm4b:s7+s1], $0x100, $0x38;
	[tilespmem:$0x1E00] =	vst v63  }
0x1a: {  	_ =	swait.ge [sflag:s18], $0x100  }
0x1b: {  	[sflag:s18] =	ssyncset.done $0x0  }
0x1c: {  	[sflag:s18] =	ssyncadd.s32 $0xFFFFFF00  }
0x1d: {  	[tilespmem:s21], [sflag:$0x1] =	stream.linear.gather [hbm4b:s3+s1], $0x200, $0x38;
	[tilespmem:$0x1E00] =	vst v63  }
0x1e: {  	_ =	swait.ge [sflag:s18], $0x200  }
0x1f: {  	[sflag:s18] =	ssyncset.done $0x0  }
0x20: {  	[sflag:s18] =	ssyncadd.s32 $0xFFFFFE00  }
0x21: {  	[tilespmem:s22], [sflag:$0x1] =	stream.linear.gather [hbm4b:s8+s1], $0x200, $0x38;
	[tilespmem:$0x1E00] =	vst v63  }
0x22: {  	_ =	swait.ge [sflag:s18], $0x200  }
0x23: {  	[sflag:s18] =	ssyncset.done $0x0  }
0x24: {  	[sflag:s18] =	ssyncadd.s32 $0xFFFFFE00  }
0x25: {  	[tilespmem:s23], [sflag:$0x1] =	stream.linear.gather [hbm4b:s9+s1], $0x200, $0x38;
	[tilespmem:$0x1E00] =	vst v63  }
0x26: {  	_ =	swait.ge [sflag:s18], $0x200  }
0x27: {  	[sflag:s18] =	ssyncset.done $0x0  }
0x28: {  	s28 =	simm.s32 $0x0;
	[sflag:s18] =	ssyncadd.s32 $0xFFFFFE00  }
0x29: {  	v1 =	vld [tilespmem:s28+$0x400]  }
0x2a: {  	v2 =	vld [tilespmem:s28+$0x600];
	_ =	sdelay $0x1  }
0x2b: {  	v3 =	vld [tilespmem:s28+$0x800];
	_ =	sdelay $0x1  }
0x2c: {  	s29 =	simm.s32 $0x10;
	[tilespmem:s28+$0xC00] =	vst v0  }
0x2d: {  	v4 =	vmul.f32 v1, v1;
	v5 =	vmul.f32 v2, v2;
	v1 =	vld [tilespmem:s29+$0x400]  }
0x2e: {  	v2 =	vld [tilespmem:s29+$0x600]  }
0x2f: {  	v4 =	vadd.f32 v5, v4;
	v5 =	vmul.f32 v3, v3  }
0x30: {  	v3 =	vld [tilespmem:s29+$0x800]  }
0x31: {  	s30 =	simm.s32 $0x80;
	[tilespmem:s29+$0xC00] =	vst v0;
	v4 =	vadd.f32 v5, v4  }
.LBB2_2:
0x32: {  	s31 =	sshra.s32 s30, $0x2;
	p0 =	sne.s32 s30, $0x7C0  }
.Ltmp0:
0x33: {  	s30 =	sadd.s32 $0x40, s30;
	v5 =	vmul.f32 v1, v1;
	v1 =	vld [tilespmem:s31+$0x400];
	v6 =	vmul.f32 v2, v2;
	[tilespmem:s28+$0xA00] =	vst v4;
	(pc) =	sbr.rel @p0 .LBB2_2-.Ltmp0, $4  }
0x34: {  	s28 =	smov.u32 s29;
	s29 =	smov.u32 s31;
	v2 =	vld [tilespmem:s31+$0x600];
	[tilespmem:s31+$0xC00] =	vst v0  }
0x35: {  	v4 =	vadd.f32 v6, v5;
	v5 =	vmul.f32 v3, v3  }
0x36: {  	v3 =	vld [tilespmem:s29+$0x800]  }
0x37: {  	v4 =	vadd.f32 v5, v4  }
0x38: {  	_ = 	snop  }
0x39: {  	v1 =	vmul.f32 v1, v1;
	v2 =	vmul.f32 v2, v2;
	_ =	sdelay $0x1  }
0x3a: {  	v1 =	vadd.f32 v2, v1;
	v2 =	vmul.f32 v3, v3;
	_ =	sdelay $0x1  }
0x3b: {  	v1 =	vadd.f32 v2, v1  }
0x3c: {  	[tilespmem:s28+$0xA00] =	vst v4  }
0x3d: {  	s28 =	simm.s32 $0x0;
	[tilespmem:s29+$0xA00] =	vst v1  }
0x3e: {  	v1 =	vld [tilespmem:s28+$0x0]  }
0x3f: {  	v2 =	vld [tilespmem:s28+$0x100]  }
0x40: {  	v3 =	vld [tilespmem:s28+$0x200];
	_ =	sdelay $0x2  }
0x41: {  	s29 =	simm.s32 $0x10  }
0x42: {  	v4 =	vmul.f32 v1, v1;
	v2 =	vmul.f32 v2, v2;
	v1 =	vld [tilespmem:s29+$0x0]  }
0x43: {  	v5 =	vmul.f32 v3, v3;
	v3 =	vld [tilespmem:s29+$0x100]  }
0x44: {  	v4 =	vadd.f32 v2, v4  }
0x45: {  	v2 =	vld [tilespmem:s29+$0x200]  }
0x46: {  	s30 =	simm.s32 $0x80;
	v4 =	vadd.f32 v5, v4  }
.LBB2_4:
0x47: {  	s31 =	sshra.s32 s30, $0x2;
	p0 =	sne.s32 s30, $0x3C0  }
.Ltmp1:
0x48: {  	s30 =	sadd.s32 $0x40, s30;
	v5 =	vmul.f32 v1, v1;
	v1 =	vld [tilespmem:s31+$0x0];
	v6 =	vmul.f32 v3, v3;
	[tilespmem:s28+$0x300] =	vst v4;
	(pc) =	sbr.rel @p0 .LBB2_4-.Ltmp1, $4  }
0x49: {  	s28 =	smov.u32 s29;
	s29 =	smov.u32 s31;
	v3 =	vld [tilespmem:s31+$0x100]  }
0x4a: {  	v4 =	vadd.f32 v6, v5;
	v5 =	vmul.f32 v2, v2  }
0x4b: {  	v2 =	vld [tilespmem:s29+$0x200]  }
0x4c: {  	v4 =	vadd.f32 v5, v4  }
0x4d: {  	_ = 	snop  }
0x4e: {  	v1 =	vmul.f32 v1, v1;
	v3 =	vmul.f32 v3, v3;
	_ =	sdelay $0x1  }
0x4f: {  	v1 =	vadd.f32 v3, v1;
	v2 =	vmul.f32 v2, v2;
	_ =	sdelay $0x1  }
0x50: {  	v1 =	vadd.f32 v2, v1  }
0x51: {  	[tilespmem:s28+$0x300] =	vst v4  }
0x52: {  	s28 =	simm.s32 $0x0;
	[tilespmem:s29+$0x300] =	vst v1  }
0x53: {  	[tilespmem:s28], [sflag:$0x1] =	stream.linear.gather [hbm4b:s10+s28], $0x100, $0x38;
	[tilespmem:$0x1E00] =	vst v63  }
0x54: {  	_ =	swait.ge [sflag:s18], $0x100  }
0x55: {  	[sflag:s18] =	ssyncset.done $0x0  }
0x56: {  	[sflag:s18] =	ssyncadd.s32 $0xFFFFFF00  }
0x57: {  	[tilespmem:s19], [sflag:$0x1] =	stream.linear.gather [hbm4b:s11+s28], $0x100, $0x38;
	[tilespmem:$0x1E00] =	vst v63  }
0x58: {  	_ =	swait.ge [sflag:s18], $0x100  }
0x59: {  	[sflag:s18] =	ssyncset.done $0x0  }
0x5a: {  	[sflag:s18] =	ssyncadd.s32 $0xFFFFFF00  }
0x5b: {  	[tilespmem:s20], [sflag:$0x1] =	stream.linear.gather [hbm4b:s12+s28], $0x100, $0x38;
	[tilespmem:$0x1E00] =	vst v63  }
0x5c: {  	_ =	swait.ge [sflag:s18], $0x100  }
0x5d: {  	[sflag:s18] =	ssyncset.done $0x0  }
0x5e: {  	[sflag:s18] =	ssyncadd.s32 $0xFFFFFF00  }
0x5f: {  	[tilespmem:s21], [sflag:$0x1] =	stream.linear.gather [hbm4b:s4+s28], $0x200, $0x38;
	[tilespmem:$0x1E00] =	vst v63  }
0x60: {  	_ =	swait.ge [sflag:s18], $0x200  }
0x61: {  	[sflag:s18] =	ssyncset.done $0x0  }
0x62: {  	[sflag:s18] =	ssyncadd.s32 $0xFFFFFE00  }
0x63: {  	[tilespmem:s22], [sflag:$0x1] =	stream.linear.gather [hbm4b:s13+s28], $0x200, $0x38;
	[tilespmem:$0x1E00] =	vst v63  }
0x64: {  	_ =	swait.ge [sflag:s18], $0x200  }
0x65: {  	[sflag:s18] =	ssyncset.done $0x0  }
0x66: {  	[sflag:s18] =	ssyncadd.s32 $0xFFFFFE00  }
0x67: {  	[tilespmem:s23], [sflag:$0x1] =	stream.linear.gather [hbm4b:s14+s28], $0x200, $0x38;
	[tilespmem:$0x1E00] =	vst v63  }
0x68: {  	_ =	swait.ge [sflag:s18], $0x200  }
0x69: {  	[sflag:s18] =	ssyncset.done $0x0  }
0x6a: {  	s30 =	simm.s32 $0x0;
	s29 =	simm.s32 $0x40;
	[sflag:s18] =	ssyncadd.s32 $0xFFFFFE00  }
.LBB2_6:
0x6b: {  	p0 =	sne.s32 s29, $0x3FC0;
	[tilespmem:s30+$0xE00] =	vst v0;
	s30 =	smov.u32 s29;
	s29 =	sadd.s32 $0x40, s29  }
.Ltmp2:
0x6c: {  	(pc) =	sbr.rel @p0 .LBB2_6-.Ltmp2, $2  }
0x6d: {  	_ =	sdelay $0x2  }
0x6e: {  	s30 =	sshra.s32 s30, $0x2  }
0x6f: {  	[tilespmem:s30+$0xE00] =	vst v0  }
.LBB2_8:
0x70: {  	s29 =	sshll.u32 s28, $0x4  }
0x71: {  	v1 =	vld [tilespmem:s29+$0x400]  }
0x72: {  	v2 =	vld [tilespmem:s29+$0x600]  }
0x73: {  	v3 =	vld [tilespmem:s29+$0x800]  }
0x74: {  	v4 =	vld [tilespmem:s29+$0xA00]  }
0x75: {  	s30 =	simm.s32 $0x0;
	s31 =	simm.s32 $0xE80;
	v9 =	vld [tilespmem:s29+$0xC00]  }
.LBB2_9:
0x76: {  	s0 =	sshra.s32 s30, $0x2  }
0x77: {  	v8 =	vld [tilespmem:s0+$0x0]  }
0x78: {  	v7 =	vld [tilespmem:s0+$0x100]  }
0x79: {  	v6 =	vld [tilespmem:s0+$0x200];
	_ =	sdelay $0x3  }
0x7a: {  	v5 =	vld [tilespmem:s0+$0x300];
	v10 =	vbroadcast v8, $0x0;
	v11 =	vbroadcast v7, $0x0  }
0x7b: {  	v12 =	vbroadcast v6, $0x0  }
0x7c: {  	v10 =	vmul.f32 v10, v1;
	v11 =	vmul.f32 v11, v2;
	_ =	sdelay $0x1  }
0x7d: {  	v10 =	vadd.f32 v11, v10;
	v11 =	vmul.f32 v12, v3  }
0x7e: {  	v13 =	vbroadcast v5, $0x0  }
0x7f: {  	v18 =	vld [tilespmem:s31+$0xFFFFFF80];
	v14 =	vbroadcast v7, $0x1;
	v10 =	vadd.f32 v11, v10;
	v11 =	vbroadcast v8, $0x1  }
0x80: {  	v20 =	vbroadcast v6, $0x1;
	v13 =	vadd.f32 v13, v4  }
0x81: {  	v19 =	vmul.f32 v14, v2;
	v11 =	vmul.f32 v11, v1  }
0x82: {  	v10 =	vadd.f32 v10, v13  }
0x83: {  	v21 =	vbroadcast v5, $0x1;
	v22 =	vmul.f32 v20, v3;
	v11 =	vadd.f32 v19, v11  }
0x84: {  	v23 =	vld [tilespmem:s31+$0xFFFFFF90];
	v24 =	vbroadcast v8, $0x2;
	v15 =	vbroadcast v7, $0x2;
	v12 =	vmin.f32 v18, v10  }
0x85: {  	v27 =	vbroadcast v6, $0x2;
	[tilespmem:s31+$0xFFFFFF80] =	vst v12;
	v12 =	vadd.f32 v21, v4;
	v11 =	vadd.f32 v22, v11  }
0x86: {  	v25 =	vmul.f32 v24, v1;
	v26 =	vmul.f32 v15, v2  }
0x87: {  	v11 =	vadd.f32 v11, v12  }
0x88: {  	v28 =	vbroadcast v5, $0x2;
	v29 =	vmul.f32 v27, v3;
	v12 =	vadd.f32 v26, v25  }
0x89: {  	v30 =	vld [tilespmem:s31+$0xFFFFFFA0];
	v31 =	vbroadcast v8, $0x3;
	v16 =	vbroadcast v7, $0x3;
	v14 =	vmin.f32 v23, v11  }
0x8a: {  	v33 =	vbroadcast v6, $0x3;
	v12 =	vadd.f32 v29, v12;
	[tilespmem:s31+$0xFFFFFF90] =	vst v14;
	v14 =	vadd.f32 v28, v4  }
0x8b: {  	v32 =	vmul.f32 v16, v2;
	v13 =	vmul.f32 v31, v1  }
0x8c: {  	v34 =	vbroadcast v5, $0x3;
	v12 =	vadd.f32 v12, v14  }
0x8d: {  	v37 =	vbroadcast v8, $0x4;
	v35 =	vmul.f32 v33, v3;
	v13 =	vadd.f32 v32, v13  }
0x8e: {  	v36 =	vld [tilespmem:s31+$0xFFFFFFB0];
	v17 =	vbroadcast v7, $0x4;
	v39 =	vbroadcast v6, $0x4;
	v15 =	vmin.f32 v30, v12  }
0x8f: {  	v40 =	vbroadcast v5, $0x4;
	v13 =	vadd.f32 v35, v13;
	[tilespmem:s31+$0xFFFFFFA0] =	vst v15;
	v15 =	vadd.f32 v34, v4  }
0x90: {  	v38 =	vmul.f32 v17, v2;
	v14 =	vmul.f32 v37, v1  }
0x91: {  	v43 =	vbroadcast v8, $0x5;
	v45 =	vbroadcast v6, $0x5;
	v13 =	vadd.f32 v13, v15  }
0x92: {  	v46 =	vbroadcast v5, $0x5;
	v41 =	vmul.f32 v39, v3;
	v14 =	vadd.f32 v38, v14  }
0x93: {  	v42 =	vld [tilespmem:s31+$0xFFFFFFC0];
	v49 =	vbroadcast v8, $0x6;
	v18 =	vbroadcast v7, $0x5;
	v16 =	vmin.f32 v36, v13  }
0x94: {  	v51 =	vbroadcast v6, $0x6;
	v14 =	vadd.f32 v41, v14;
	[tilespmem:s31+$0xFFFFFFB0] =	vst v16;
	v16 =	vadd.f32 v40, v4  }
0x95: {  	v44 =	vmul.f32 v18, v2;
	v15 =	vmul.f32 v43, v1  }
0x96: {  	v52 =	vbroadcast v5, $0x6;
	v55 =	vbroadcast v8, $0x7;
	v14 =	vadd.f32 v14, v16  }
0x97: {  	v57 =	vbroadcast v6, $0x7;
	v47 =	vmul.f32 v45, v3;
	v15 =	vadd.f32 v44, v15  }
0x98: {  	v48 =	vld [tilespmem:s31+$0xFFFFFFD0];
	v58 =	vbroadcast v5, $0x7;
	v19 =	vbroadcast v7, $0x6;
	v17 =	vmin.f32 v42, v14  }
0x99: {  	v61 =	vbroadcast v8, $0x8;
	v15 =	vadd.f32 v47, v15;
	[tilespmem:s31+$0xFFFFFFC0] =	vst v17;
	v17 =	vadd.f32 v46, v4  }
0x9a: {  	v50 =	vmul.f32 v19, v2;
	v16 =	vmul.f32 v49, v1  }
0x9b: {  	v63 =	vbroadcast v6, $0x8;
	v53 =	vmul.f32 v51, v3;
	v15 =	vadd.f32 v15, v17  }
0x9c: {  	v20 =	vbroadcast v7, $0x7;
	v59 =	vmul.f32 v57, v3;
	v16 =	vadd.f32 v50, v16  }
0x9d: {  	v54 =	vld [tilespmem:s31+$0xFFFFFFE0];
	v27 =	vbroadcast v8, $0x9;
	v33 =	vbroadcast v8, $0xA;
	v18 =	vmin.f32 v48, v15  }
0x9e: {  	v39 =	vbroadcast v8, $0xB;
	v16 =	vadd.f32 v53, v16;
	[tilespmem:s31+$0xFFFFFFD0] =	vst v18;
	v18 =	vadd.f32 v52, v4  }
0x9f: {  	v56 =	vmul.f32 v20, v2;
	v17 =	vmul.f32 v55, v1  }
0xa0: {  	v45 =	vbroadcast v8, $0xC;
	v51 =	vbroadcast v8, $0xD;
	v16 =	vadd.f32 v16, v18  }
0xa1: {  	v57 =	vbroadcast v8, $0xE;
	v8 =	vbroadcast v8, $0xF;
	v17 =	vadd.f32 v56, v17  }
0xa2: {  	v60 =	vld [tilespmem:s31+$0xFFFFFFF0];
	v24 =	vbroadcast v5, $0x8;
	v21 =	vbroadcast v7, $0x8;
	v19 =	vmin.f32 v54, v16  }
0xa3: {  	v8 =	vmul.f32 v8, v1;
	v17 =	vadd.f32 v59, v17;
	[tilespmem:s31+$0xFFFFFFE0] =	vst v19;
	v19 =	vadd.f32 v58, v4  }
0xa4: {  	v9 =	vmin.f32 v9, v10;
	v62 =	vmul.f32 v21, v2;
	v18 =	vmul.f32 v61, v1  }
0xa5: {  	v22 =	vbroadcast v7, $0x9;
	v35 =	vbroadcast v6, $0xA;
	v17 =	vadd.f32 v17, v19  }
0xa6: {  	v25 =	vmul.f32 v63, v3;
	v29 =	vbroadcast v6, $0x9;
	v18 =	vadd.f32 v62, v18  }
0xa7: {  	v26 =	vld [tilespmem:s31+$0x0];
	v23 =	vbroadcast v7, $0xA;
	v28 =	vmul.f32 v22, v2;
	v20 =	vmin.f32 v60, v17  }
0xa8: {  	v31 =	vmul.f32 v29, v3;
	v18 =	vadd.f32 v25, v18;
	[tilespmem:s31+$0xFFFFFFF0] =	vst v20;
	v20 =	vadd.f32 v24, v4  }
0xa9: {  	v9 =	vmin.f32 v9, v11;
	v37 =	vmul.f32 v35, v3;
	v19 =	vmul.f32 v27, v1  }
0xaa: {  	v30 =	vbroadcast v5, $0x9;
	v41 =	vbroadcast v6, $0xB;
	v18 =	vadd.f32 v18, v20  }
0xab: {  	v9 =	vmin.f32 v9, v12;
	v34 =	vmul.f32 v23, v2;
	v19 =	vadd.f32 v28, v19  }
0xac: {  	v32 =	vld [tilespmem:s31+$0x10];
	v43 =	vmul.f32 v41, v3;
	v36 =	vbroadcast v5, $0xA;
	v21 =	vmin.f32 v26, v18  }
0xad: {  	v47 =	vbroadcast v6, $0xC;
	v19 =	vadd.f32 v31, v19;
	[tilespmem:s31+$0x0] =	vst v21;
	v21 =	vadd.f32 v30, v4  }
0xae: {  	v9 =	vmin.f32 v9, v13;
	v53 =	vbroadcast v6, $0xD;
	v20 =	vmul.f32 v33, v1  }
0xaf: {  	v49 =	vmul.f32 v47, v3;
	v42 =	vbroadcast v5, $0xB;
	v19 =	vadd.f32 v19, v21  }
0xb0: {  	v55 =	vmul.f32 v53, v3;
	v48 =	vbroadcast v5, $0xC;
	v20 =	vadd.f32 v34, v20  }
0xb1: {  	v38 =	vld [tilespmem:s31+$0x20];
	v59 =	vbroadcast v6, $0xE;
	v24 =	vbroadcast v7, $0xB;
	v22 =	vmin.f32 v32, v19  }
0xb2: {  	v6 =	vbroadcast v6, $0xF;
	v20 =	vadd.f32 v37, v20;
	[tilespmem:s31+$0x10] =	vst v22;
	v22 =	vadd.f32 v36, v4  }
0xb3: {  	v9 =	vmin.f32 v9, v14;
	v40 =	vmul.f32 v24, v2;
	v21 =	vmul.f32 v39, v1  }
0xb4: {  	v9 =	vmin.f32 v9, v15;
	v61 =	vbroadcast v5, $0xE;
	v20 =	vadd.f32 v20, v22  }
0xb5: {  	v6 =	vmul.f32 v6, v3;
	v54 =	vbroadcast v5, $0xD;
	v21 =	vadd.f32 v40, v21  }
0xb6: {  	v44 =	vld [tilespmem:s31+$0x30];
	v62 =	vmul.f32 v59, v3;
	v25 =	vbroadcast v7, $0xC;
	v23 =	vmin.f32 v38, v20  }
0xb7: {  	v5 =	vbroadcast v5, $0xF;
	v21 =	vadd.f32 v43, v21;
	[tilespmem:s31+$0x20] =	vst v23;
	v23 =	vadd.f32 v42, v4  }
0xb8: {  	v12 =	vadd.f32 v61, v4;
	v46 =	vmul.f32 v25, v2;
	v22 =	vmul.f32 v45, v1  }
0xb9: {  	v58 =	vmul.f32 v57, v1;
	v27 =	vbroadcast v7, $0xE;
	v21 =	vadd.f32 v21, v23  }
0xba: {  	v26 =	vbroadcast v7, $0xD;
	v7 =	vbroadcast v7, $0xF;
	v22 =	vadd.f32 v46, v22  }
0xbb: {  	v50 =	vld [tilespmem:s31+$0x40];
	v5 =	vadd.f32 v5, v4;
	v11 =	vmul.f32 v27, v2;
	v24 =	vmin.f32 v44, v21  }
0xbc: {  	v7 =	vmul.f32 v7, v2;
	v22 =	vadd.f32 v49, v22;
	[tilespmem:s31+$0x30] =	vst v24;
	v24 =	vadd.f32 v48, v4  }
0xbd: {  	v11 =	vadd.f32 v11, v58;
	v52 =	vmul.f32 v26, v2;
	v23 =	vmul.f32 v51, v1  }
0xbe: {  	v9 =	vmin.f32 v9, v16;
	v7 =	vadd.f32 v7, v8;
	v22 =	vadd.f32 v22, v24  }
0xbf: {  	v63 =	vld [tilespmem:s31+$0x60];
	v9 =	vmin.f32 v9, v17;
	v11 =	vadd.f32 v62, v11;
	v23 =	vadd.f32 v52, v23  }
0xc0: {  	v8 =	vmin.f32 v9, v18;
	v9 =	vld [tilespmem:s31+$0x70];
	v6 =	vadd.f32 v6, v7;
	v25 =	vmin.f32 v50, v22  }
0xc1: {  	v56 =	vld [tilespmem:s31+$0x50];
	v8 =	vmin.f32 v8, v19;
	v23 =	vadd.f32 v55, v23;
	[tilespmem:s31+$0x40] =	vst v25;
	v25 =	vadd.f32 v54, v4  }
0xc2: {  	p0 =	sne.s32 s30, $0x3C0;
	v11 =	vadd.f32 v11, v12;
	v7 =	vmin.f32 v8, v20  }
.Ltmp3:
0xc3: {  	v5 =	vadd.f32 v6, v5;
	v7 =	vmin.f32 v7, v21;
	v10 =	vadd.f32 v23, v25;
	(pc) =	sbr.rel @p0 .LBB2_9-.Ltmp3, $4  }
0xc4: {  	v12 =	vmin.f32 v63, v11;
	v6 =	vmin.f32 v7, v22  }
0xc5: {  	[tilespmem:s31+$0x60] =	vst v12;
	v7 =	vmin.f32 v9, v5;
	v6 =	vmin.f32 v6, v10  }
0xc6: {  	[tilespmem:s31+$0x70] =	vst v7;
	v60 =	vmin.f32 v56, v10;
	v6 =	vmin.f32 v6, v11  }
0xc7: {  	s30 =	sadd.s32 $0x40, s30;
	[tilespmem:s31+$0x50] =	vst v60;
	s31 =	sadd.s32 $0x100, s31;
	v9 =	vmin.f32 v6, v5  }
0xc8: {  	s28 =	sadd.s32 $0x1, s28  }
0xc9: {  	p0 =	sne.s32 s28, $0x20  }
.Ltmp4:
0xca: {  	_ = 	snop;
	(pc) =	sbr.rel @p0 .LBB2_8-.Ltmp4, $2  }
0xcb: {  	_ =	sdelay $0x2  }
0xcc: {  	[tilespmem:s29+$0xC00] =	vst v9  }
0xcd: {  	[hbm4b:s15+s1] =	stream.linear.scatter [tilespmem:s24], [sflag:$0x1], $0x1000, $0x38;
	[tilespmem:$0x1E00] =	vst v63  }
0xce: {  	s26 =	sadd.s32 $0x1, s26;
	_ =	swait.ge [sflag:s18], $0x1000  }
0xcf: {  	p0 =	sne.s32 s26, s17;
	[sflag:s18] =	ssyncset.done $0x0  }
.Ltmp5:
0xd0: {  	[sflag:s18] =	ssyncadd.s32 $0xFFFFF000;
	(pc) =	sbr.rel @p0 .LBB2_1-.Ltmp5, $4  }
0xd1: {  	[hbm4b:s16+s1] =	stream.linear.scatter [tilespmem:s25], [sflag:$0x1], $0x200, $0x38;
	[tilespmem:$0x1E00] =	vst v63  }
0xd2: {  	_ =	swait.ge [sflag:s18], $0x200  }
0xd3: {  	[sflag:s18] =	ssyncset.done $0x0  }
0xd4: {  	[sflag:s18] =	ssyncadd.s32 $0xFFFFFE00  }
0xd5: {  	_ =	sfence.sel $0x180000  }
0xd6: {  	[bflag:$0x0] =	sbarrier.arrive $0xFFFF  }
0xd7: {  	_ =	strace $0x90000047  }
0xd8: {  	[bflag:$0x2] =	sbarrier.arrive $0xFFFF  }
0xd9: {  	p0 =	sne.s32 s2, $0x0;
	s0 =	rddreg [dreg:$0x1]  }
0xda: {  	s0 =	sadd.s32 @!p0 $0x100000, s0  }
0xdb: {  	[sflag:s0] =	ssyncadd.tile.s32 @!p0 $0x1;
	_ =	shalt  }
.Lfunc_end2:
_tile_overlayer_lowered:
.L_overlay_start_2:
0xdc: {  	(tag) =	ssettag $0x2  }
0xdd: {  	s0 =	rddreg [dreg:$0x0];
	s2 =	stileid.u32  }
0xde: {  	s1 =	rddreg [dreg:$0x1];
	p0 =	sne.s32 s2, $0x0  }
0xdf: {  	s3 =	rddreg [dreg:$0x2];
	[bflag:$0x3] =	sbarrier.arrive $0xFFFF;
	s2 =	simm.s32 @!p0 $0x1C01  }
0xe0: {  	[timem:s3], [sflag:s2] =	dma.local @!p0 [hbm:s0], s1  }
0xe1: {  	s0 =	simm.s32 @!p0 $0x1  }
0xe2: {  	_ =	swait.ge @!p0 [sflag:s0], s1  }
0xe3: {  	s1 =	ssub.s32 @!p0 $0x0, s1;
	[sflag:s0] =	ssyncset.done @!p0 $0x0  }
0xe4: {  	[sflag:s0] =	ssyncadd.s32 @!p0 s1  }
0xe5: {  	[bflag:$0x3] =	sbarrier.arrive $0xFFFF  }
0xe6: {  	_ =	shalt  }

</sc_bundles>
